<compile_context>
chip_gen: v7x
topology: tpu7x:2x2x1
jax: 0.10.2.dev20260603
libtpu: 0.0.44.dev20260713+nightly
codegen_flags: <defaults>
</compile_context>

<pallas_src>
import functools
import jax
import jax.numpy as jnp
from jax.experimental import pallas as pl
from jax.experimental.pallas import tpu as pltpu

B = 512
BS = 128
K = 512


def _scatter_body(obi_ref, isf_ref, rows_ref, dl_ref, ac_ref, out_ref):
    c = pl.program_id(0)
    a = ac_ref[0:1, :]
    cc = ac_ref[1:2, :]
    rows_n = rows_ref[...] * a + cc
    dl = dl_ref[0]
    oh = (jax.lax.broadcasted_iota(jnp.int32, (BS, K), 0) == dl).astype(jnp.float32)
    part = jnp.dot(oh, rows_n, preferred_element_type=jnp.float32)

    @pl.when(isf_ref[c] == 1)
    def _():
        out_ref[...] = part

    @pl.when(isf_ref[c] == 0)
    def _():
        out_ref[...] += part


def _mlp_body(n_total, agg_ref, h_ref, cm_ref, w1_ref, w2_ref, out_ref, st_ref):
    i = pl.program_id(0)
    a = cm_ref[0:1, :]
    c = cm_ref[1:2, :]
    b1 = cm_ref[2:3, :]
    b2 = cm_ref[3:4, :]
    h0 = h_ref[...] * a + c
    t = agg_ref[...] + h0
    h1 = jnp.maximum(jnp.dot(t, w1_ref[...], preferred_element_type=jnp.float32) + b1, 0.0)
    h2 = jnp.maximum(jnp.dot(h1, w2_ref[...], preferred_element_type=jnp.float32) + b2, 0.0)
    ridx = i * B + jax.lax.broadcasted_iota(jnp.int32, (B, 1), 0)
    h2 = jnp.where(ridx < n_total, h2, 0.0)
    out_ref[...] = h2

    @pl.when(i == 0)
    def _():
        st_ref[...] = jnp.zeros_like(st_ref)

    st_ref[0:1, :] += jnp.sum(h2, axis=0, keepdims=True)
    st_ref[1:2, :] += jnp.sum(h2 * h2, axis=0, keepdims=True)


def _pool_body(n_graphs, h_ref, bid_ref, ac_ref, out_ref):
    i = pl.program_id(0)

    @pl.when(i == 0)
    def _():
        out_ref[...] = jnp.full_like(out_ref, -jnp.inf)

    a = ac_ref[0:1, :]
    c = ac_ref[1:2, :]
    rows = h_ref[...] * a + c
    bid = bid_ref[0]
    blo = jnp.min(bid)
    bhi = jnp.max(jnp.where(bid < n_graphs, bid, -1))

    def body(g, _):
        m = bid == g
        vals = jnp.where(m, rows, -jnp.inf)
        red = jnp.max(vals, axis=0, keepdims=True)
        out_ref[pl.ds(g, 1), :] = jnp.maximum(out_ref[pl.ds(g, 1), :], red)
        return 0

    jax.lax.fori_loop(blo, bhi + 1, body, 0)


def kernel(x, edge_index, batch,
           W1_0, b1_0, W2_0, b2_0, gamma_0, beta_0,
           W1_1, b1_1, W2_1, b2_1, gamma_1, beta_1,
           W1_2, b1_2, W2_2, b2_2, gamma_2, beta_2):
    N, D_IN = x.shape
    E = edge_index.shape[1]
    D = W2_0.shape[1]
    G = 2000
    NB = -(-N // B)
    NPAD = NB * B
    NBS = NPAD // BS
    NC = -(-E // K) + NBS
    EP = NC * K

    src = edge_index[0]
    dst = edge_index[1]

    order = jnp.argsort(dst)
    dst_s = dst[order]
    src_s = src[order]
    blk = dst_s // BS
    cnt = jnp.bincount(blk, length=NBS)
    cap = jnp.maximum(-(-cnt // K), 1) * K
    cum_cap = jnp.cumsum(cap)
    pad_off = cum_cap - cap
    blk_start = jnp.cumsum(cnt) - cnt
    p = pad_off[blk] + jnp.arange(E, dtype=jnp.int32) - blk_start[blk]
    src_pad = jnp.zeros((EP,), jnp.int32).at[p].set(src_s)
    dl_pad = jnp.full((EP,), -1, jnp.int32).at[p].set(dst_s - blk * BS)
    dl3 = dl_pad.reshape(NC, 1, K)
    chunk_starts = jnp.arange(NC, dtype=jnp.int32) * K
    obi = jnp.minimum(jnp.searchsorted(cum_cap, chunk_starts, side='right'),
                      NBS - 1).astype(jnp.int32)
    isf = jnp.concatenate([jnp.ones((1,), jnp.int32),
                           (obi[1:] != obi[:-1]).astype(jnp.int32)])
    bid3 = jnp.concatenate([batch, jnp.full((NPAD - N,), G, jnp.int32)]
                           ).reshape(NB, B, 1)

    x_pad = jnp.zeros((NPAD, D), x.dtype).at[:N, :D_IN].set(x)
    W1_0p = jnp.zeros((D, D), W1_0.dtype).at[:D_IN].set(W1_0)

    scatter_call = pl.pallas_call(
        _scatter_body,
        grid_spec=pltpu.PrefetchScalarGridSpec(
            num_scalar_prefetch=2,
            grid=(NC,),
            in_specs=[
                pl.BlockSpec((K, D), lambda c, obi_r, isf_r: (c, 0)),
                pl.BlockSpec((1, 1, K), lambda c, obi_r, isf_r: (c, 0, 0)),
                pl.BlockSpec((8, D), lambda c, obi_r, isf_r: (0, 0)),
            ],
            out_specs=pl.BlockSpec((BS, D), lambda c, obi_r, isf_r: (obi_r[c], 0)),
        ),
        out_shape=jax.ShapeDtypeStruct((NPAD, D), jnp.float32),
    )

    mlp_call = pl.pallas_call(
        functools.partial(_mlp_body, N),
        grid=(NB,),
        in_specs=[
            pl.BlockSpec((B, D), lambda i: (i, 0)),
            pl.BlockSpec((B, D), lambda i: (i, 0)),
            pl.BlockSpec((8, D), lambda i: (0, 0)),
            pl.BlockSpec((D, D), lambda i: (0, 0)),
            pl.BlockSpec((D, D), lambda i: (0, 0)),
        ],
        out_specs=[
            pl.BlockSpec((B, D), lambda i: (i, 0)),
            pl.BlockSpec((8, D), lambda i: (0, 0)),
        ],
        out_shape=[
            jax.ShapeDtypeStruct((NPAD, D), jnp.float32),
            jax.ShapeDtypeStruct((8, D), jnp.float32),
        ],
    )

    pool_call = pl.pallas_call(
        functools.partial(_pool_body, G),
        grid=(NB,),
        in_specs=[
            pl.BlockSpec((B, D), lambda i: (i, 0)),
            pl.BlockSpec((1, B, 1), lambda i: (i, 0, 0)),
            pl.BlockSpec((8, D), lambda i: (0, 0)),
        ],
        out_specs=pl.BlockSpec((G, D), lambda i: (0, 0)),
        out_shape=jax.ShapeDtypeStruct((G, D), jnp.float32),
    )

    layers = [
        (W1_0p, b1_0, W2_0, b2_0, gamma_0, beta_0),
        (W1_1, b1_1, W2_1, b2_1, gamma_1, beta_1),
        (W1_2, b1_2, W2_2, b2_2, gamma_2, beta_2),
    ]

    h = x_pad
    a = jnp.ones((D,), jnp.float32)
    c = jnp.zeros((D,), jnp.float32)
    outs = []
    for (W1, b1, W2, b2, g, b) in layers:
        rows = jnp.take(h, src_pad, axis=0)
        ac8 = jnp.zeros((8, D), jnp.float32).at[0].set(a).at[1].set(c)
        agg = scatter_call(obi, isf, rows, dl3, ac8)
        cm = ac8.at[2].set(b1).at[3].set(b2)
        h2, st = mlp_call(agg, h, cm, W1, W2)
        mean = st[0] / N
        var = st[1] / N - mean * mean
        a = g / jnp.sqrt(var + 1e-5)
        c = b - mean * a
        ac_n = jnp.zeros((8, D), jnp.float32).at[0].set(a).at[1].set(c)
        outs.append(pool_call(h2, bid3, ac_n))
        h = h2
    return jnp.concatenate(outs, axis=1)

# --- scband reference (transcript-rebuilt; emitter-appended) ---
"""Pipeline reference for scband-gnn-drug-18133351924123 (READ-ONLY COPY).

The authoritative reference and input builder live on the scoring server;
editing this copy changes nothing except your own understanding.
"""

import jax, jax.numpy as jnp
import numpy as np

N = 50000
E = 800000
D_IN = 77
D = 128
L = 3
G = 2000


def setup_inputs(seed: int = 0) -> dict:
    key = jax.random.key(seed)
    ks = jax.random.split(key, 32)
    inp = {}
    inp["x"] = jax.random.normal(ks[0], (N, D_IN), dtype=jnp.float32)
    inp["edge_index"] = jax.random.randint(ks[1], (2, E), 0, N, dtype=jnp.int32)
    inp["batch"] = jnp.sort(jax.random.randint(ks[2], (N,), 0, G, dtype=jnp.int32))
    ki = 3
    for i in range(L):
        d_in = D_IN if i == 0 else D
        inp[f"W1_{i}"] = jax.random.normal(ks[ki], (d_in, D), dtype=jnp.float32) * (1.0 / np.sqrt(d_in)); ki += 1
        inp[f"b1_{i}"] = jnp.zeros((D,), dtype=jnp.float32)
        inp[f"W2_{i}"] = jax.random.normal(ks[ki], (D, D), dtype=jnp.float32) * (1.0 / np.sqrt(D)); ki += 1
        inp[f"b2_{i}"] = jnp.zeros((D,), dtype=jnp.float32)
        inp[f"gamma_{i}"] = jnp.ones((D,), dtype=jnp.float32)
        inp[f"beta_{i}"] = jnp.zeros((D,), dtype=jnp.float32)
    return inp


def reference(x, edge_index, batch,
              W1_0, b1_0, W2_0, b2_0, gamma_0, beta_0,
              W1_1, b1_1, W2_1, b2_1, gamma_1, beta_1,
              W1_2, b1_2, W2_2, b2_2, gamma_2, beta_2):
    src = edge_index[0]
    dst = edge_index[1]
    layers = [
        (W1_0, b1_0, W2_0, b2_0, gamma_0, beta_0),
        (W1_1, b1_1, W2_1, b2_1, gamma_1, beta_1),
        (W1_2, b1_2, W2_2, b2_2, gamma_2, beta_2),
    ]
    h = x
    outs = []
    for (W1, b1, W2, b2, g, b) in layers:
        # GINConv (eps=0): MLP((1+eps)*x + sum_{j->i} x_j)
        agg = jax.ops.segment_sum(h[src], dst, num_segments=N) + h
        h = jnp.maximum(agg @ W1 + b1, 0.0) @ W2 + b2
        # F.relu after conv
        h = jnp.maximum(h, 0.0)
        # BatchNorm1d (training-mode batch statistics, biased var)
        mean = jnp.mean(h, axis=0)
        var = jnp.var(h, axis=0)
        h = g * (h - mean) / jnp.sqrt(var + 1e-5) + b
        outs.append(h)
    # JumpingKnowledge('cat')
    node_representation = jnp.concatenate(outs, axis=1)
    # global_max_pool over per-graph segments
    x_drug = jax.ops.segment_max(node_representation, batch, num_segments=G)
    return x_drug

if __name__ == "__main__":
    import jax
    _d = setup_inputs()
    print(jax.jit(kernel)(*tuple(_d.values())))

</pallas_src>

<mosaic_0001>
module attributes {stable_mosaic.version = 14 : i64} {
  func.func @_scatter_body(%arg0: i32, %arg1: memref<1955xi32, #tpu.memory_space<smem>>, %arg2: memref<1955xi32, #tpu.memory_space<smem>>, %arg3: memref<512x128xf32, #tpu.memory_space<vmem>>, %arg4: memref<1x1x512xi32, #tpu.memory_space<vmem>>, %arg5: memref<8x128xf32, #tpu.memory_space<vmem>>, %arg6: memref<128x128xf32, #tpu.memory_space<vmem>>) attributes {dimension_semantics = [#tpu.dimension_semantics<arbitrary>], iteration_bounds = array<i64: 1955>, scalar_prefetch = 2 : i64, scratch_operands = 0 : i64, tpu.core_type = #tpu.core_type<tc>, window_params = [{transform_indices = @transform_0, window_bounds = array<i64: 512, 128>}, {transform_indices = @transform_1, window_bounds = array<i64: 1, 1, 512>}, {pipeline_mode = #tpu.pipeline_mode<synchronous>, transform_indices = @transform_2, window_bounds = array<i64: 8, 128>}, {transform_indices = @transform_3, window_bounds = array<i64: 128, 128>}]} {
    %get3A = arith.constant 0 : index
    %get3A_0 = arith.constant 0 : index
    %get3A_1 = vector.load %arg5[%get3A, %get3A_0] : memref<8x128xf32, #tpu.memory_space<vmem>>, vector<1x128xf32>
    %get3A_2 = arith.constant 1 : index
    %get3A_3 = arith.constant 0 : index
    %get3A_4 = vector.load %arg5[%get3A_2, %get3A_3] : memref<8x128xf32, #tpu.memory_space<vmem>>, vector<1x128xf32>
    %get3A_5 = arith.constant 0 : index
    %get3A_6 = arith.constant 0 : index
    %get3A_7 = vector.load %arg3[%get3A_5, %get3A_6] : memref<512x128xf32, #tpu.memory_space<vmem>>, vector<512x128xf32>
    %mul3A = vector.broadcast %get3A_1 : vector<1x128xf32> to vector<512x128xf32>
    %mul3A_8 = arith.mulf %get3A_7, %mul3A : vector<512x128xf32>
    %add3A = vector.broadcast %get3A_4 : vector<1x128xf32> to vector<512x128xf32>
    %add3A_9 = arith.addf %mul3A_8, %add3A : vector<512x128xf32>
    %get3A_10 = arith.constant 0 : index
    %get3A_11 = arith.constant 0 : index
    %get3A_12 = arith.constant 0 : index
    %get3A_13 = vector.load %arg4[%get3A_10, %get3A_11, %get3A_12] : memref<1x1x512xi32, #tpu.memory_space<vmem>>, vector<1x1x512xi32>
    %get3A_14 = vector.shape_cast %get3A_13 : vector<1x1x512xi32> to vector<1x512xi32>
    %iota3A = tpu.iota {dimensions = array<i32: 0>} : vector<128x512xi32>
    %eq3A = vector.broadcast %get3A_14 : vector<1x512xi32> to vector<128x512xi32>
    %eq3A_15 = arith.cmpi eq, %iota3A, %eq3A : vector<128x512xi32>
    %convert_element_type3A = arith.extui %eq3A_15 : vector<128x512xi1> to vector<128x512xi32>
    %convert_element_type3A_16 = arith.sitofp %convert_element_type3A : vector<128x512xi32> to vector<128x512xf32>
    %dot_general3A = arith.constant dense<0.000000e+00> : vector<128x128xf32>
    %dot_general3A_17 = tpu.matmul %convert_element_type3A_16, %add3A_9, %dot_general3A {dimension_numbers = #tpu.dot_dimension_numbers<[1], [0], [0], [1], [0, 0, 1, 1], [], []>, transpose_lhs_hint = false} : vector<128x512xf32>, vector<512x128xf32>, vector<128x128xf32> -> vector<128x128xf32>
    %get3A_18 = arith.index_cast %arg0 : i32 to index
    %get3A_19 = memref.load %arg2[%get3A_18] : memref<1955xi32, #tpu.memory_space<smem>>
    %eq3A_20 = arith.constant 1 : i32
    %eq3A_21 = arith.cmpi eq, %get3A_19, %eq3A_20 : i32
    %convert_element_type3A_22 = arith.extui %eq3A_21 : i1 to i32
    %cond3A = arith.constant 0 : i32
    %cond3A_23 = arith.cmpi ne, %convert_element_type3A_22, %cond3A : i32
    scf.if %cond3A_23 {
      %swap3A = arith.constant 0 : index
      %swap3A_31 = arith.constant 0 : index
      %swap3A_32 = vector.load %arg6[%swap3A, %swap3A_31] : memref<128x128xf32, #tpu.memory_space<vmem>>, vector<128x128xf32>
      tpu.vector_store %arg6[%swap3A, %swap3A_31], %dot_general3A_17 {strides = array<i32>} : memref<128x128xf32, #tpu.memory_space<vmem>>, vector<128x128xf32>,
    } else {
    }
    %get3A_24 = arith.index_cast %arg0 : i32 to index
    %get3A_25 = memref.load %arg2[%get3A_24] : memref<1955xi32, #tpu.memory_space<smem>>
    %eq3A_26 = arith.constant 0 : i32
    %eq3A_27 = arith.cmpi eq, %get3A_25, %eq3A_26 : i32
    %convert_element_type3A_28 = arith.extui %eq3A_27 : i1 to i32
    %cond3A_29 = arith.constant 0 : i32
    %cond3A_30 = arith.cmpi ne, %convert_element_type3A_28, %cond3A_29 : i32
    scf.if %cond3A_30 {
      %get3A_31 = arith.constant 0 : index
      %get3A_32 = arith.constant 0 : index
      %get3A_33 = vector.load %arg6[%get3A_31, %get3A_32] : memref<128x128xf32, #tpu.memory_space<vmem>>, vector<128x128xf32>
      %add3A_34 = arith.addf %get3A_33, %dot_general3A_17 : vector<128x128xf32>
      %swap3A = arith.constant 0 : index
      %swap3A_35 = arith.constant 0 : index
      %swap3A_36 = vector.load %arg6[%swap3A, %swap3A_35] : memref<128x128xf32, #tpu.memory_space<vmem>>, vector<128x128xf32>
      tpu.vector_store %arg6[%swap3A, %swap3A_35], %add3A_34 {strides = array<i32>} : memref<128x128xf32, #tpu.memory_space<vmem>>, vector<128x128xf32>,
    } else {
    }
    return
  }
  func.func @transform_0(%arg0: i32, %arg1: memref<1955xi32, #tpu.memory_space<smem>>, %arg2: memref<1955xi32, #tpu.memory_space<smem>>) -> (i32, i32) {
    %c0_i32 = arith.constant 0 : i32
    %c0_i32_0 = arith.constant 0 : i32
    return %arg0, %c0_i32 : i32, i32
  }
  func.func @transform_1(%arg0: i32, %arg1: memref<1955xi32, #tpu.memory_space<smem>>, %arg2: memref<1955xi32, #tpu.memory_space<smem>>) -> (i32, i32, i32) {
    %c0_i32 = arith.constant 0 : i32
    %c0_i32_0 = arith.constant 0 : i32
    %c0_i32_1 = arith.constant 0 : i32
    return %arg0, %c0_i32, %c0_i32_0 : i32, i32, i32
  }
  func.func @transform_2(%arg0: i32, %arg1: memref<1955xi32, #tpu.memory_space<smem>>, %arg2: memref<1955xi32, #tpu.memory_space<smem>>) -> (i32, i32) {
    %c0_i32 = arith.constant 0 : i32
    %c0_i32_0 = arith.constant 0 : i32
    %c0_i32_1 = arith.constant 0 : i32
    return %c0_i32, %c0_i32_0 : i32, i32
  }
  func.func @transform_3(%arg0: i32, %arg1: memref<1955xi32, #tpu.memory_space<smem>>, %arg2: memref<1955xi32, #tpu.memory_space<smem>>) -> (i32, i32) {
    %get3A = arith.index_cast %arg0 : i32 to index
    %get3A_0 = memref.load %arg1[%get3A] : memref<1955xi32, #tpu.memory_space<smem>>
    %c0_i32 = arith.constant 0 : i32
    %c0_i32_1 = arith.constant 0 : i32
    return %get3A_0, %c0_i32 : i32, i32
  }
}

module attributes {stable_mosaic.version = 14 : i64} {
  func.func @_mlp_body(%arg0: i32, %arg1: memref<512x128xf32, #tpu.memory_space<vmem>>, %arg2: memref<512x128xf32, #tpu.memory_space<vmem>>, %arg3: memref<8x128xf32, #tpu.memory_space<vmem>>, %arg4: memref<128x128xf32, #tpu.memory_space<vmem>>, %arg5: memref<128x128xf32, #tpu.memory_space<vmem>>, %arg6: memref<512x128xf32, #tpu.memory_space<vmem>>, %arg7: memref<8x128xf32, #tpu.memory_space<vmem>>) attributes {dimension_semantics = [#tpu.dimension_semantics<arbitrary>], iteration_bounds = array<i64: 98>, scalar_prefetch = 0 : i64, scratch_operands = 0 : i64, tpu.core_type = #tpu.core_type<tc>, window_params = [{transform_indices = @transform_0, window_bounds = array<i64: 512, 128>}, {transform_indices = @transform_1, window_bounds = array<i64: 512, 128>}, {pipeline_mode = #tpu.pipeline_mode<synchronous>, transform_indices = @transform_2, window_bounds = array<i64: 8, 128>}, {pipeline_mode = #tpu.pipeline_mode<synchronous>, transform_indices = @transform_3, window_bounds = array<i64: 128, 128>}, {pipeline_mode = #tpu.pipeline_mode<synchronous>, transform_indices = @transform_4, window_bounds = array<i64: 128, 128>}, {transform_indices = @transform_5, window_bounds = array<i64: 512, 128>}, {pipeline_mode = #tpu.pipeline_mode<synchronous>, transform_indices = @transform_6, window_bounds = array<i64: 8, 128>}]} {
    %get3A = arith.constant 0 : index
    %get3A_0 = arith.constant 0 : index
    %get3A_1 = vector.load %arg3[%get3A, %get3A_0] : memref<8x128xf32, #tpu.memory_space<vmem>>, vector<1x128xf32>
    %get3A_2 = arith.constant 1 : index
    %get3A_3 = arith.constant 0 : index
    %get3A_4 = vector.load %arg3[%get3A_2, %get3A_3] : memref<8x128xf32, #tpu.memory_space<vmem>>, vector<1x128xf32>
    %get3A_5 = arith.constant 2 : index
    %get3A_6 = arith.constant 0 : index
    %get3A_7 = vector.load %arg3[%get3A_5, %get3A_6] : memref<8x128xf32, #tpu.memory_space<vmem>>, vector<1x128xf32>
    %get3A_8 = arith.constant 3 : index
    %get3A_9 = arith.constant 0 : index
    %get3A_10 = vector.load %arg3[%get3A_8, %get3A_9] : memref<8x128xf32, #tpu.memory_space<vmem>>, vector<1x128xf32>
    %get3A_11 = arith.constant 0 : index
    %get3A_12 = arith.constant 0 : index
    %get3A_13 = vector.load %arg2[%get3A_11, %get3A_12] : memref<512x128xf32, #tpu.memory_space<vmem>>, vector<512x128xf32>
    %mul3A = vector.broadcast %get3A_1 : vector<1x128xf32> to vector<512x128xf32>
    %mul3A_14 = arith.mulf %get3A_13, %mul3A : vector<512x128xf32>
    %add3A = vector.broadcast %get3A_4 : vector<1x128xf32> to vector<512x128xf32>
    %add3A_15 = arith.addf %mul3A_14, %add3A : vector<512x128xf32>
    %get3A_16 = arith.constant 0 : index
    %get3A_17 = arith.constant 0 : index
    %get3A_18 = vector.load %arg1[%get3A_16, %get3A_17] : memref<512x128xf32, #tpu.memory_space<vmem>>, vector<512x128xf32>
    %add3A_19 = arith.addf %get3A_18, %add3A_15 : vector<512x128xf32>
    %get3A_20 = arith.constant 0 : index
    %get3A_21 = arith.constant 0 : index
    %get3A_22 = vector.load %arg4[%get3A_20, %get3A_21] : memref<128x128xf32, #tpu.memory_space<vmem>>, vector<128x128xf32>
    %dot_general3A = arith.constant dense<0.000000e+00> : vector<512x128xf32>
    %dot_general3A_23 = tpu.matmul %add3A_19, %get3A_22, %dot_general3A {dimension_numbers = #tpu.dot_dimension_numbers<[1], [0], [0], [1], [0, 0, 1, 1], [], []>, transpose_lhs_hint = false} : vector<512x128xf32>, vector<128x128xf32>, vector<512x128xf32> -> vector<512x128xf32>
    %add3A_24 = vector.broadcast %get3A_7 : vector<1x128xf32> to vector<512x128xf32>
    %add3A_25 = arith.addf %dot_general3A_23, %add3A_24 : vector<512x128xf32>
    %max3A = arith.constant 0.000000e+00 : f32
    %max3A_26 = vector.broadcast %max3A : f32 to vector<512x128xf32>
    %max3A_27 = arith.maximumf %add3A_25, %max3A_26 : vector<512x128xf32>
    %get3A_28 = arith.constant 0 : index
    %get3A_29 = arith.constant 0 : index
    %get3A_30 = vector.load %arg5[%get3A_28, %get3A_29] : memref<128x128xf32, #tpu.memory_space<vmem>>, vector<128x128xf32>
    %dot_general3A_31 = arith.constant dense<0.000000e+00> : vector<512x128xf32>
    %dot_general3A_32 = tpu.matmul %max3A_27, %get3A_30, %dot_general3A_31 {dimension_numbers = #tpu.dot_dimension_numbers<[1], [0], [0], [1], [0, 0, 1, 1], [], []>, transpose_lhs_hint = false} : vector<512x128xf32>, vector<128x128xf32>, vector<512x128xf32> -> vector<512x128xf32>
    %add3A_33 = vector.broadcast %get3A_10 : vector<1x128xf32> to vector<512x128xf32>
    %add3A_34 = arith.addf %dot_general3A_32, %add3A_33 : vector<512x128xf32>
    %max3A_35 = arith.constant 0.000000e+00 : f32
    %max3A_36 = vector.broadcast %max3A_35 : f32 to vector<512x128xf32>
    %max3A_37 = arith.maximumf %add3A_34, %max3A_36 : vector<512x128xf32>
    %mul3A_38 = arith.constant 512 : i32
    %mul3A_39 = arith.muli %arg0, %mul3A_38 : i32
    %iota3A = tpu.iota {dimensions = array<i32: 0>} : vector<512x1xi32>
    %add3A_40 = vector.broadcast %mul3A_39 : i32 to vector<512x1xi32>
    %add3A_41 = arith.addi %add3A_40, %iota3A : vector<512x1xi32>
    %lt3A = arith.constant 50000 : i32
    %lt3A_42 = vector.broadcast %lt3A : i32 to vector<512x1xi32>
    %lt3A_43 = arith.cmpi slt, %add3A_41, %lt3A_42 : vector<512x1xi32>
    %jit3A = arith.constant 0.000000e+00 : f32
    %broadcast_in_dim3A = vector.shape_cast %lt3A_43 : vector<512x1xi1> to vector<512x1xi1>
    %broadcast_in_dim3A_44 = vector.broadcast %broadcast_in_dim3A : vector<512x1xi1> to vector<512x128xi1>
    %broadcast_in_dim3A_45 = vector.broadcast %jit3A : f32 to vector<512x128xf32>
    %select_n3A = arith.select %broadcast_in_dim3A_44, %max3A_37, %broadcast_in_dim3A_45 : vector<512x128xi1>, vector<512x128xf32>
    %swap3A = arith.constant 0 : index
    %swap3A_46 = arith.constant 0 : index
    %swap3A_47 = vector.load %arg6[%swap3A, %swap3A_46] : memref<512x128xf32, #tpu.memory_space<vmem>>, vector<512x128xf32>
    tpu.vector_store %arg6[%swap3A, %swap3A_46], %select_n3A {strides = array<i32>} : memref<512x128xf32, #tpu.memory_space<vmem>>, vector<512x128xf32>,
    %eq3A = arith.constant 0 : i32
    %eq3A_48 = arith.cmpi eq, %arg0, %eq3A : i32
    %convert_element_type3A = arith.extui %eq3A_48 : i1 to i32
    %cond3A = arith.constant 0 : i32
    %cond3A_49 = arith.cmpi ne, %convert_element_type3A, %cond3A : i32
    scf.if %cond3A_49 {
      %broadcast_in_dim3A_70 = arith.constant 0.000000e+00 : f32
      %broadcast_in_dim3A_71 = vector.broadcast %broadcast_in_dim3A_70 : f32 to vector<8x128xf32>
      %swap3A_72 = arith.constant 0 : index
      %swap3A_73 = arith.constant 0 : index
      %swap3A_74 = vector.load %arg7[%swap3A_72, %swap3A_73] : memref<8x128xf32, #tpu.memory_space<vmem>>, vector<8x128xf32>
      tpu.vector_store %arg7[%swap3A_72, %swap3A_73], %broadcast_in_dim3A_71 {strides = array<i32>} : memref<8x128xf32, #tpu.memory_space<vmem>>, vector<8x128xf32>,
    } else {
    }
    %get3A_50 = arith.constant 0 : index
    %get3A_51 = arith.constant 0 : index
    %get3A_52 = vector.load %arg7[%get3A_50, %get3A_51] : memref<8x128xf32, #tpu.memory_space<vmem>>, vector<1x128xf32>
    %reduce_sum3A = arith.constant dense<0.000000e+00> : vector<128xf32>
    %reduce_sum3A_53 = vector.multi_reduction <add>, %select_n3A, %reduce_sum3A [0] : vector<512x128xf32> to vector<128xf32>
    %broadcast_in_dim3A_54 = vector.shape_cast %reduce_sum3A_53 : vector<128xf32> to vector<1x128xf32>
    %add3A_55 = arith.addf %get3A_52, %broadcast_in_dim3A_54 : vector<1x128xf32>
    %swap3A_56 = arith.constant 0 : index
    %swap3A_57 = arith.constant 0 : index
    %swap3A_58 = vector.load %arg7[%swap3A_56, %swap3A_57] : memref<8x128xf32, #tpu.memory_space<vmem>>, vector<1x128xf32>
    tpu.vector_store %arg7[%swap3A_56, %swap3A_57], %add3A_55 {strides = array<i32>} : memref<8x128xf32, #tpu.memory_space<vmem>>, vector<1x128xf32>,
    %get3A_59 = arith.constant 1 : index
    %get3A_60 = arith.constant 0 : index
    %get3A_61 = vector.load %arg7[%get3A_59, %get3A_60] : memref<8x128xf32, #tpu.memory_space<vmem>>, vector<1x128xf32>
    %mul3A_62 = arith.mulf %select_n3A, %select_n3A : vector<512x128xf32>
    %reduce_sum3A_63 = arith.constant dense<0.000000e+00> : vector<128xf32>
    %reduce_sum3A_64 = vector.multi_reduction <add>, %mul3A_62, %reduce_sum3A_63 [0] : vector<512x128xf32> to vector<128xf32>
    %broadcast_in_dim3A_65 = vector.shape_cast %reduce_sum3A_64 : vector<128xf32> to vector<1x128xf32>
    %add3A_66 = arith.addf %get3A_61, %broadcast_in_dim3A_65 : vector<1x128xf32>
    %swap3A_67 = arith.constant 1 : index
    %swap3A_68 = arith.constant 0 : index
    %swap3A_69 = vector.load %arg7[%swap3A_67, %swap3A_68] : memref<8x128xf32, #tpu.memory_space<vmem>>, vector<1x128xf32>
    tpu.vector_store %arg7[%swap3A_67, %swap3A_68], %add3A_66 {strides = array<i32>} : memref<8x128xf32, #tpu.memory_space<vmem>>, vector<1x128xf32>,
    return
  }
  func.func @transform_0(%arg0: i32) -> (i32, i32) {
    %c0_i32 = arith.constant 0 : i32
    %c0_i32_0 = arith.constant 0 : i32
    return %arg0, %c0_i32 : i32, i32
  }
  func.func @transform_1(%arg0: i32) -> (i32, i32) {
    %c0_i32 = arith.constant 0 : i32
    %c0_i32_0 = arith.constant 0 : i32
    return %arg0, %c0_i32 : i32, i32
  }
  func.func @transform_2(%arg0: i32) -> (i32, i32) {
    %c0_i32 = arith.constant 0 : i32
    %c0_i32_0 = arith.constant 0 : i32
    %c0_i32_1 = arith.constant 0 : i32
    return %c0_i32, %c0_i32_0 : i32, i32
  }
  func.func @transform_3(%arg0: i32) -> (i32, i32) {
    %c0_i32 = arith.constant 0 : i32
    %c0_i32_0 = arith.constant 0 : i32
    %c0_i32_1 = arith.constant 0 : i32
    return %c0_i32, %c0_i32_0 : i32, i32
  }
  func.func @transform_4(%arg0: i32) -> (i32, i32) {
    %c0_i32 = arith.constant 0 : i32
    %c0_i32_0 = arith.constant 0 : i32
    %c0_i32_1 = arith.constant 0 : i32
    return %c0_i32, %c0_i32_0 : i32, i32
  }
  func.func @transform_5(%arg0: i32) -> (i32, i32) {
    %c0_i32 = arith.constant 0 : i32
    %c0_i32_0 = arith.constant 0 : i32
    return %arg0, %c0_i32 : i32, i32
  }
  func.func @transform_6(%arg0: i32) -> (i32, i32) {
    %c0_i32 = arith.constant 0 : i32
    %c0_i32_0 = arith.constant 0 : i32
    %c0_i32_1 = arith.constant 0 : i32
    return %c0_i32, %c0_i32_0 : i32, i32
  }
}

module attributes {stable_mosaic.version = 14 : i64} {
  func.func @_pool_body(%arg0: i32, %arg1: memref<512x128xf32, #tpu.memory_space<vmem>>, %arg2: memref<1x512x1xi32, #tpu.memory_space<vmem>>, %arg3: memref<8x128xf32, #tpu.memory_space<vmem>>, %arg4: memref<2000x128xf32, #tpu.memory_space<vmem>>) attributes {dimension_semantics = [#tpu.dimension_semantics<arbitrary>], iteration_bounds = array<i64: 98>, scalar_prefetch = 0 : i64, scratch_operands = 0 : i64, tpu.core_type = #tpu.core_type<tc>, window_params = [{transform_indices = @transform_0, window_bounds = array<i64: 512, 128>}, {transform_indices = @transform_1, window_bounds = array<i64: 1, 512, 1>}, {pipeline_mode = #tpu.pipeline_mode<synchronous>, transform_indices = @transform_2, window_bounds = array<i64: 8, 128>}, {pipeline_mode = #tpu.pipeline_mode<synchronous>, transform_indices = @transform_3, window_bounds = array<i64: 2000, 128>}]} {
    %eq3A = arith.constant 0 : i32
    %eq3A_0 = arith.cmpi eq, %arg0, %eq3A : i32
    %convert_element_type3A = arith.extui %eq3A_0 : i1 to i32
    %cond3A = arith.constant 0 : i32
    %cond3A_1 = arith.cmpi ne, %convert_element_type3A, %cond3A : i32
    scf.if %cond3A_1 {
      %broadcast_in_dim3A_39 = arith.constant 0xFF800000 : f32
      %broadcast_in_dim3A_40 = vector.broadcast %broadcast_in_dim3A_39 : f32 to vector<2000x128xf32>
      %swap3A = arith.constant 0 : index
      %swap3A_41 = arith.constant 0 : index
      %swap3A_42 = vector.load %arg4[%swap3A, %swap3A_41] : memref<2000x128xf32, #tpu.memory_space<vmem>>, vector<2000x128xf32>
      tpu.vector_store %arg4[%swap3A, %swap3A_41], %broadcast_in_dim3A_40 {strides = array<i32>} : memref<2000x128xf32, #tpu.memory_space<vmem>>, vector<2000x128xf32>,
    } else {
    }
    %get3A = arith.constant 0 : index
    %get3A_2 = arith.constant 0 : index
    %get3A_3 = vector.load %arg3[%get3A, %get3A_2] : memref<8x128xf32, #tpu.memory_space<vmem>>, vector<1x128xf32>
    %get3A_4 = arith.constant 1 : index
    %get3A_5 = arith.constant 0 : index
    %get3A_6 = vector.load %arg3[%get3A_4, %get3A_5] : memref<8x128xf32, #tpu.memory_space<vmem>>, vector<1x128xf32>
    %get3A_7 = arith.constant 0 : index
    %get3A_8 = arith.constant 0 : index
    %get3A_9 = vector.load %arg1[%get3A_7, %get3A_8] : memref<512x128xf32, #tpu.memory_space<vmem>>, vector<512x128xf32>
    %mul3A = vector.broadcast %get3A_3 : vector<1x128xf32> to vector<512x128xf32>
    %mul3A_10 = arith.mulf %get3A_9, %mul3A : vector<512x128xf32>
    %add3A = vector.broadcast %get3A_6 : vector<1x128xf32> to vector<512x128xf32>
    %add3A_11 = arith.addf %mul3A_10, %add3A : vector<512x128xf32>
    %get3A_12 = arith.constant 0 : index
    %get3A_13 = arith.constant 0 : index
    %get3A_14 = arith.constant 0 : index
    %get3A_15 = vector.load %arg2[%get3A_12, %get3A_13, %get3A_14] : memref<1x512x1xi32, #tpu.memory_space<vmem>>, vector<1x512x1xi32>
    %get3A_16 = vector.shape_cast %get3A_15 : vector<1x512x1xi32> to vector<512x1xi32>
    %reduce_min3A = vector.shape_cast %get3A_16 : vector<512x1xi32> to vector<1x512x1xi32>
    %reduce_min3A_17 = arith.constant dense<2147483647> : vector<1xi32>
    %reduce_min3A_18 = vector.multi_reduction <minsi>, %reduce_min3A, %reduce_min3A_17 [1, 2] : vector<1x512x1xi32> to vector<1xi32>
    %reduce_min3A_19 = vector.shape_cast %reduce_min3A_18 : vector<1xi32> to vector<1x1x1xi32>
    %reduce_min3A_20 = vector.extract %reduce_min3A_19[0, 0, 0] : i32 from vector<1x1x1xi32>
    %lt3A = arith.constant 2000 : i32
    %lt3A_21 = vector.broadcast %lt3A : i32 to vector<512x1xi32>
    %lt3A_22 = arith.cmpi slt, %get3A_16, %lt3A_21 : vector<512x1xi32>
    %jit3A = arith.constant -1 : i32
    %broadcast_in_dim3A = vector.broadcast %jit3A : i32 to vector<512x1xi32>
    %select_n3A = arith.select %lt3A_22, %get3A_16, %broadcast_in_dim3A : vector<512x1xi1>, vector<512x1xi32>
    %reduce_max3A = vector.shape_cast %select_n3A : vector<512x1xi32> to vector<1x512x1xi32>
    %reduce_max3A_23 = arith.constant dense<-2147483648> : vector<1xi32>
    %reduce_max3A_24 = vector.multi_reduction <maxsi>, %reduce_max3A, %reduce_max3A_23 [1, 2] : vector<1x512x1xi32> to vector<1xi32>
    %reduce_max3A_25 = vector.shape_cast %reduce_max3A_24 : vector<1xi32> to vector<1x1x1xi32>
    %reduce_max3A_26 = vector.extract %reduce_max3A_25[0, 0, 0] : i32 from vector<1x1x1xi32>
    %add3A_27 = arith.constant 1 : i32
    %add3A_28 = arith.addi %reduce_max3A_26, %add3A_27 : i32
    %while3A = arith.constant 0 : i32
    %while3A_29 = arith.subi %add3A_28, %reduce_min3A_20 : i32
    %while3A_30 = arith.addi %reduce_min3A_20, %while3A_29 : i32
    %while3A_31 = arith.constant 1 : i32
    %while3A_32 = arith.divsi %while3A_29, %while3A_31 : i32
    %while3A_33 = arith.muli %while3A_32, %while3A_31 : i32
    %while3A_34 = arith.addi %reduce_min3A_20, %while3A_33 : i32
    %while3A_35 = arith.constant 1 : i32
    %while3A_36 = scf.for %while3A_39 = %reduce_min3A_20 to %while3A_34 step %while3A_35 iter_args(%while3A_40 = %while3A) -> (i32)  : i32 {
      %eq3A_41 = vector.broadcast %while3A_39 : i32 to vector<512x1xi32>
      %eq3A_42 = arith.cmpi eq, %get3A_16, %eq3A_41 : vector<512x1xi32>
      %jit3A_43 = arith.constant 0xFF800000 : f32
      %broadcast_in_dim3A_44 = vector.shape_cast %eq3A_42 : vector<512x1xi1> to vector<512x1xi1>
      %broadcast_in_dim3A_45 = vector.broadcast %broadcast_in_dim3A_44 : vector<512x1xi1> to vector<512x128xi1>
      %broadcast_in_dim3A_46 = vector.broadcast %jit3A_43 : f32 to vector<512x128xf32>
      %select_n3A_47 = arith.select %broadcast_in_dim3A_45, %add3A_11, %broadcast_in_dim3A_46 : vector<512x128xi1>, vector<512x128xf32>
      %reduce_max3A_48 = arith.constant dense<0xFF800000> : vector<128xf32>
      %reduce_max3A_49 = vector.multi_reduction <maximumf>, %select_n3A_47, %reduce_max3A_48 [0] : vector<512x128xf32> to vector<128xf32>
      %broadcast_in_dim3A_50 = vector.shape_cast %reduce_max3A_49 : vector<128xf32> to vector<1x128xf32>
      %get3A_51 = arith.index_cast %while3A_39 : i32 to index
      %get3A_52 = arith.constant 0 : index
      %get3A_53 = vector.load %arg4[%get3A_51, %get3A_52] : memref<2000x128xf32, #tpu.memory_space<vmem>>, vector<1x128xf32>
      %max3A = arith.maximumf %get3A_53, %broadcast_in_dim3A_50 : vector<1x128xf32>
      %swap3A = arith.index_cast %while3A_39 : i32 to index
      %swap3A_54 = arith.constant 0 : index
      %swap3A_55 = vector.load %arg4[%swap3A, %swap3A_54] : memref<2000x128xf32, #tpu.memory_space<vmem>>, vector<1x128xf32>
      tpu.vector_store %arg4[%swap3A, %swap3A_54], %max3A {strides = array<i32>} : memref<2000x128xf32, #tpu.memory_space<vmem>>, vector<1x128xf32>,
      %while3A_56 = arith.constant 0 : i32
      scf.yield %while3A_56 : i32
    }
    %while3A_37 = arith.constant 1 : i32
    %while3A_38 = scf.for %while3A_39 = %while3A_34 to %while3A_30 step %while3A_37 iter_args(%while3A_40 = %while3A_36) -> (i32)  : i32 {
      %eq3A_41 = vector.broadcast %while3A_39 : i32 to vector<512x1xi32>
      %eq3A_42 = arith.cmpi eq, %get3A_16, %eq3A_41 : vector<512x1xi32>
      %jit3A_43 = arith.constant 0xFF800000 : f32
      %broadcast_in_dim3A_44 = vector.shape_cast %eq3A_42 : vector<512x1xi1> to vector<512x1xi1>
      %broadcast_in_dim3A_45 = vector.broadcast %broadcast_in_dim3A_44 : vector<512x1xi1> to vector<512x128xi1>
      %broadcast_in_dim3A_46 = vector.broadcast %jit3A_43 : f32 to vector<512x128xf32>
      %select_n3A_47 = arith.select %broadcast_in_dim3A_45, %add3A_11, %broadcast_in_dim3A_46 : vector<512x128xi1>, vector<512x128xf32>
      %reduce_max3A_48 = arith.constant dense<0xFF800000> : vector<128xf32>
      %reduce_max3A_49 = vector.multi_reduction <maximumf>, %select_n3A_47, %reduce_max3A_48 [0] : vector<512x128xf32> to vector<128xf32>
      %broadcast_in_dim3A_50 = vector.shape_cast %reduce_max3A_49 : vector<128xf32> to vector<1x128xf32>
      %get3A_51 = arith.index_cast %while3A_39 : i32 to index
      %get3A_52 = arith.constant 0 : index
      %get3A_53 = vector.load %arg4[%get3A_51, %get3A_52] : memref<2000x128xf32, #tpu.memory_space<vmem>>, vector<1x128xf32>
      %max3A = arith.maximumf %get3A_53, %broadcast_in_dim3A_50 : vector<1x128xf32>
      %swap3A = arith.index_cast %while3A_39 : i32 to index
      %swap3A_54 = arith.constant 0 : index
      %swap3A_55 = vector.load %arg4[%swap3A, %swap3A_54] : memref<2000x128xf32, #tpu.memory_space<vmem>>, vector<1x128xf32>
      tpu.vector_store %arg4[%swap3A, %swap3A_54], %max3A {strides = array<i32>} : memref<2000x128xf32, #tpu.memory_space<vmem>>, vector<1x128xf32>,
      %while3A_56 = arith.constant 0 : i32
      scf.yield %while3A_56 : i32
    }
    return
  }
  func.func @transform_0(%arg0: i32) -> (i32, i32) {
    %c0_i32 = arith.constant 0 : i32
    %c0_i32_0 = arith.constant 0 : i32
    return %arg0, %c0_i32 : i32, i32
  }
  func.func @transform_1(%arg0: i32) -> (i32, i32, i32) {
    %c0_i32 = arith.constant 0 : i32
    %c0_i32_0 = arith.constant 0 : i32
    %c0_i32_1 = arith.constant 0 : i32
    return %arg0, %c0_i32, %c0_i32_0 : i32, i32, i32
  }
  func.func @transform_2(%arg0: i32) -> (i32, i32) {
    %c0_i32 = arith.constant 0 : i32
    %c0_i32_0 = arith.constant 0 : i32
    %c0_i32_1 = arith.constant 0 : i32
    return %c0_i32, %c0_i32_0 : i32, i32
  }
  func.func @transform_3(%arg0: i32) -> (i32, i32) {
    %c0_i32 = arith.constant 0 : i32
    %c0_i32_0 = arith.constant 0 : i32
    %c0_i32_1 = arith.constant 0 : i32
    return %c0_i32, %c0_i32_0 : i32, i32
  }
}

</mosaic_0001>

<sc_bundles>
// kernel: gather_offload_async_start.1
scs
__scs_entry_jumppad:
0x0: {  	(pc) =	sbr.rel $0x88, $3  }
0x1: {  	(tag) =	ssettag $0x0;
	lr =	simm.s32 $0x1  }
0x2: {  	[smem:$0x3F8C] =	sst lr;
	_ =	strace $0xD0000000  }
0x3: {  	_ = 	snop  }
0x4: {  	_ = 	snop  }
0x5: {  	_ = 	snop  }
0x6: {  	_ = 	snop  }
0x7: {  	_ = 	snop  }
__scs_overlays_trampoline_lowered:
0x8: {  	[smem:$0x3F9B] =	sst s0  }
0x9: {  	[smem:$0x3F9C] =	sst s1  }
0xa: {  	[smem:$0x3F9D] =	sst s2  }
0xb: {  	[smem:$0x3F9E] =	sst s3  }
0xc: {  	[smem:$0x3F9F] =	sst s4  }
0xd: {  	[smem:$0x3FA0] =	sst s5  }
0xe: {  	[smem:$0x3FA1] =	sst s6  }
0xf: {  	[smem:$0x3FA2] =	sst s7  }
0x10: {  	[smem:$0x3FA3] =	sst s8  }
0x11: {  	[smem:$0x3FA4] =	sst s9;
	s0 =	simm.s32 @!p0 $0x0  }
0x12: {  	s1 =	sld [smem:$0x3F8A];
	s0 =	simm.s32 @p0 $0x1  }
0x13: {  	[smem:$0x3FA5] =	sst s0;
	s0 =	simm.s32 @!p1 $0x0  }
0x14: {  	s2 =	sld [smem:$0x3F89];
	s0 =	simm.s32 @p1 $0x1  }
0x15: {  	[smem:$0x3FA6] =	sst s0;
	s0 =	simm.s32 @!p2 $0x0  }
0x16: {  	s3 =	sld [smem:$0x3FDB];
	s0 =	simm.s32 @p2 $0x1  }
0x17: {  	s4 =	simm.s32 $0x1BF5;
	[smem:$0x3FA8] =	sst s0  }
0x18: {  	s0 =	sld [smem:$0x3F8B];
	_ =	swait.ge [sflag:s4], $0x0  }
0x19: {  	s7 =	sld [smem:$0x3F8C]  }
0x1a: {  	s8 =	sadd.s32 $0xFFFFE003, lr  }
0x1b: {  	s9 =	sadd.s32 $0xFFFFFEF7, lr;
	s5 =	simm.s32 $0xFFFFFFFF;
	p2 =	slt.u32 s8, $0xFFFFF086  }
0x1c: {  	p1 =	slt.u32 s9, $0xF7A;
	s5 =	simm.s32 @!p2 $0x0  }
0x1d: {  	s5 =	simm.s32 @p1 $0x1;
	p0 =	seq.s32 s7, s2  }
0x1e: {  	s7 =	smul.u32 @!p0 $0xF7A, s2;
	p2 =	seq.s32 @!p0 s5, $0x0  }
0x1f: {  	s9 =	smul.u32 $0xF7A, s1;
	s8 =	simm.s32 @!p0 $0x1BF5;
	p2 =	por !p2, p0  }
0x20: {  	[sflag:s8] =	ssyncset.s32 @!p0 $0xFFFFF086;
	s6 =	sadd.s32 @!p0 s3, s7;
	s7 =	simm.s32 @!p0 $0x108  }
0x21: {  	s3 =	sadd.s32 s3, s9;
	s6 =	sadd.s32 @!p0 $0x88, s6;
	s7 =	simm.s32 @p2 $0x1082  }
0x22: {  	[simem:s7], [sflag:s8] =	dma.local @!p0 [hbm:s6], $0xF7A  }
0x23: {  	s9 =	sor.u32 $0xD0000000, s2;
	s6 =	simm.s32 $0x108;
	_ =	swait.ge @!p0 [sflag:s8], $0x0  }
0x24: {  	s3 =	sadd.s32 $0x88, s3;
	s6 =	simm.s32 @!p1 $0x1082;
	[sflag:s4] =	ssyncset.s32 $0xFFFFF086  }
0x25: {  	[simem:s6], [sflag:s4] =	dma.local [hbm:s3], $0xF7A  }
0x26: {  	[smem:$0x3F8C] =	sst s1;
	(tag) =	ssettag s2;
	_ =	strace s9  }
0x27: {  	s1 =	sld [smem:$0x3F9C]  }
0x28: {  	s2 =	sld [smem:$0x3F9D]  }
0x29: {  	s4 =	sld [smem:$0x3F9F]  }
0x2a: {  	p0 =	seq.s32 s5, $0x0;
	s5 =	sld [smem:$0x3FA0]  }
0x2b: {  	s6 =	sld [smem:$0x3FA1]  }
0x2c: {  	s7 =	sld [smem:$0x3FA2]  }
0x2d: {  	s3 =	simm.s32 $0x108;
	s8 =	sld [smem:$0x3FA3]  }
0x2e: {  	s3 =	simm.s32 @!p0 $0x1082;
	s9 =	sld [smem:$0x3FA4]  }
0x2f: {  	lr =	sadd.s32 s0, s3;
	s0 =	sld [smem:$0x3F9B]  }
0x30: {  	s3 =	sld [smem:$0x3F9E]  }
0x31: {  	[smem:$0x3FA7] =	sst s10  }
0x32: {  	s10 =	sld [smem:$0x3FA5];
	_ =	sdelay $0x3  }
0x33: {  	p0 =	seq.s32 s10, $0x1;
	s10 =	sld [smem:$0x3FA7];
	_ =	sdelay $0x3  }
0x34: {  	[smem:$0x3FA7] =	sst s10  }
0x35: {  	s10 =	sld [smem:$0x3FA6];
	_ =	sdelay $0x3  }
0x36: {  	p1 =	seq.s32 s10, $0x1;
	s10 =	sld [smem:$0x3FA7];
	_ =	sdelay $0x3  }
0x37: {  	[smem:$0x3FA7] =	sst s10  }
0x38: {  	s10 =	sld [smem:$0x3FA8]  }
0x39: {  	_ = 	snop;
	(pc) =	sbr.ind lr, $3  }
0x3a: {  	_ = 	snop  }
0x3b: {  	_ = 	snop  }
0x3c: {  	p2 =	seq.s32 s10, $0x1;
	s10 =	sld [smem:$0x3FA7]  }
0x3d: {  	_ =	shalt  }
0x3e: {  	_ =	shalt  }
0x3f: {  	_ =	shalt  }
0x40: {  	_ =	shalt  }
0x41: {  	_ =	shalt  }
0x42: {  	_ =	shalt  }
0x43: {  	_ =	shalt  }
0x44: {  	_ =	shalt  }
0x45: {  	_ =	shalt  }
0x46: {  	_ =	shalt  }
0x47: {  	_ =	shalt  }
0x48: {  	_ =	shalt  }
0x49: {  	_ =	shalt  }
0x4a: {  	_ =	shalt  }
0x4b: {  	_ =	shalt  }
0x4c: {  	_ =	shalt  }
0x4d: {  	_ =	shalt  }
0x4e: {  	_ =	shalt  }
0x4f: {  	_ =	shalt  }
0x50: {  	_ =	shalt  }
0x51: {  	_ =	shalt  }
0x52: {  	_ =	shalt  }
0x53: {  	_ =	shalt  }
0x54: {  	_ =	shalt  }
0x55: {  	_ =	shalt  }
0x56: {  	_ =	shalt  }
0x57: {  	_ =	shalt  }
0x58: {  	_ =	shalt  }
0x59: {  	_ =	shalt  }
0x5a: {  	_ =	shalt  }
0x5b: {  	_ =	shalt  }
0x5c: {  	_ =	shalt  }
0x5d: {  	_ =	shalt  }
0x5e: {  	_ =	shalt  }
0x5f: {  	_ =	shalt  }
0x60: {  	_ =	shalt  }
0x61: {  	_ =	shalt  }
0x62: {  	_ =	shalt  }
0x63: {  	_ =	shalt  }
0x64: {  	_ =	shalt  }
0x65: {  	_ =	shalt  }
0x66: {  	_ =	shalt  }
0x67: {  	_ =	shalt  }
0x68: {  	_ =	shalt  }
0x69: {  	_ =	shalt  }
0x6a: {  	_ =	shalt  }
0x6b: {  	_ =	shalt  }
0x6c: {  	_ =	shalt  }
0x6d: {  	_ =	shalt  }
0x6e: {  	_ =	shalt  }
0x6f: {  	_ =	shalt  }
0x70: {  	_ =	shalt  }
0x71: {  	_ =	shalt  }
0x72: {  	_ =	shalt  }
0x73: {  	_ =	shalt  }
0x74: {  	_ =	shalt  }
0x75: {  	_ =	shalt  }
0x76: {  	_ =	shalt  }
0x77: {  	_ =	shalt  }
0x78: {  	_ =	shalt  }
0x79: {  	_ =	shalt  }
0x7a: {  	_ =	shalt  }
0x7b: {  	_ =	shalt  }
0x7c: {  	_ =	shalt  }
0x7d: {  	_ =	shalt  }
0x7e: {  	_ =	shalt  }
0x7f: {  	_ =	shalt  }
0x80: {  	_ =	shalt  }
0x81: {  	_ =	shalt  }
0x82: {  	_ =	shalt  }
0x83: {  	_ =	shalt  }
0x84: {  	_ =	shalt  }
0x85: {  	_ =	shalt  }
0x86: {  	_ =	shalt  }
0x87: {  	_ =	shalt  }
.Lfunc_end0:
.L_simem_size_0:
called_computation.2_lowered:
.L_overlay_start_0:
0x88: {  	s2 =	sld [smem:$0x3FD9]  }
0x89: {  	s3 =	sld [smem:$0x3FFE];
	_ =	sdelay $0x1  }
0x8a: {  	s1 =	srdreg.scid  }
0x8b: {  	s0 =	sand.u32 $0x1, s1  }
0x8c: {  	s16 =	sshll.u32 s0, $0xA;
	s2 =	sadd.s32 s3, s2  }
0x8d: {  	s2 =	sadd.s32 s2, s16  }
0x8e: {  	[smem:$0x3FB3] =	sst s2  }
0x8f: {  	_ = 	snop  }
0x90: {  	(tm) =	ssettm $0x1  }
0x91: {  	s17 =	sld [smem:$0x3FFB];
	_ =	sdelay $0x3  }
0x92: {  	_ =	strace s17  }
0x93: {  	s2 =	sld [smem:$0x3FFC];
	_ =	sdelay $0x3  }
0x94: {  	_ =	strace s2  }
0x95: {  	s2 =	sld [smem:$0x3FFD];
	_ =	sdelay $0x3  }
0x96: {  	_ =	strace s2  }
0x97: {  	_ =	strace $0x8FFFFFFF  }
0x98: {  	s18 =	sld [smem:$0x3FDB];
	_ =	sdelay $0x1  }
0x99: {  	s19 =	simm.s32 $_scs_section_size  }
0x9a: {  	s4 =	simm.s32 $_size__tile_overlayer_lowered;
	s5 =	simm.s32 $_tile_overlayer_lowered  }
0x9b: {  	s22 =	simm.s32 $0x1BFF;
	s21 =	sshll.u32 s5, $0x1;
	s2 =	sadd.s32 s19, s18  }
0x9c: {  	s6 =	simm.s32 $0x0;
	s20 =	sshll.u32 s4, $0x1;
	s4 =	sadd.s32 s21, s2  }
0x9d: {  	[timem:s6], [sflag:s22] =	dma.local [hbm:s4], s20  }
0x9e: {  	_ =	swait.ge [sflag:s22], s20  }
0x9f: {  	s3 =	ssub.s32 $0x0, s20;
	[sflag:s22] =	ssyncset.done $0x0  }
0xa0: {  	[sflag:s22] =	ssyncadd.s32 s3;
	_ =	sdelay $0x1  }
0xa1: {  	s23 =	simm.s32 $0x1B8B  }
0xa2: {  	_ =	swait.ge [sflag:s23], $0x1  }
0xa3: {  	[sflag:s23] =	ssyncset.done $0x0  }
0xa4: {  	s25 =	simm.s32 $0x1B8E;
	s24 =	sld [smem:$0x3FFE];
	[sflag:s23] =	ssyncadd.s32 $0xFFFFFFFF  }
0xa5: {  	s26 =	simm.s32 $execute0_lowered;
	[smem:$0x3FD2] =	sst s25  }
0xa6: {  	s4 =	sshll.u32 s26, $0x1;
	_ =	strace $0x8000004C;
	[dreg:$0x1] =	wrdreg $0xFFFFFFFF  }
0xa7: {  	s28 =	simm.s32 $_size_execute0_lowered;
	s2 =	sadd.s32 s2, s4;
	[dreg:$0x0] =	wrdreg $0x0  }
0xa8: {  	s4 =	sshll.u32 s28, $0x1;
	[dreg:$0x2] =	wrdreg s2  }
0xa9: {  	[dreg:$0x3] =	wrdreg s4  }
0xaa: {  	[dreg:$0x4] =	wrdreg $0xC0  }
0xab: {  	_ =	task [dreg:s6], $0x5FFFF  }
0xac: {  	[dreg:$0x1] =	wrdreg $0xFFFFFFFF  }
0xad: {  	[dreg:$0x0] =	wrdreg $0x60  }
0xae: {  	[dreg:$0x2] =	wrdreg s24  }
0xaf: {  	[dreg:$0x3] =	wrdreg $0x9  }
0xb0: {  	_ =	task.clear_ibuf [dreg:s6], $0x4FFFF;
	_ =	strace $0x9000004C  }
0xb1: {  	s29 =	simm.s32 $0x9;
	_ =	strace $0x8000004E  }
0xb2: {  	_ =	swait.ge [sflag:s29], $0x1  }
0xb3: {  	[sflag:s29] =	ssyncadd.s32 $0xFFFFFFFF  }
0xb4: {  	_ =	strace $0x9000004E  }
0xb5: {  	_ =	sfence  }
0xb6: {  	s30 =	sld [smem:$0x0];
	_ =	sdelay $0x2  }
0xb7: {  	s31 =	sshll.u32 s1, $0xD;
	s1 =	sshrl.u32 s1, $0x2  }
0xb8: {  	s3 =	sand.u32 $0x4000, s31;
	s1 =	sadd.s32 s1, s30  }
0xb9: {  	s0 =	sor.u32 s3, s0;
	s1 =	sshll.u32 s1, $0x11  }
0xba: {  	s0 =	sor.u32 s1, s0  }
0xbb: {  	s0 =	sadd.s32 $0x8F2B, s0  }
0xbc: {  	[sflag:s0] =	ssyncadd.remote.s32 $0x1  }
0xbd: {  	_ =	sfence.sel $0xFFFF  }
0xbe: {  	[dreg:$0x0] =	wrdreg $0xFFFFFFFF;
	(pc) =	sbr.abs _section_cstart, $3  }
0xbf: {  	[dreg:$0x1] =	wrdreg $0xFFFFFFFF  }
0xc0: {  	_ =	task.clear_ibuf [dreg:s6], $0x2FFFF;
	_ =	strace $0x9FFFFFFF  }
0xc1: {  	(tm) =	ssettm $0x7FFFFFFF  }
tec
execute0_lowered:
.L_overlay_start_1:
0x0: {  	(tag) =	ssettag $0x1  }
0x1: {  	s8 =	rddreg [dreg:$0x0];
	s1 =	stileid.u32  }
0x2: {  	s2 =	srdreg.scid;
	s0 =	rddreg [dreg:$0x1]  }
0x3: {  	_ =	strace $0x8000004D;
	s5 =	simm.s32 $0x1;
	s9 =	simm.s32 $0x1  }
0x4: {  	s10 =	simm.s32 $0x3;
	s2 =	sand.u32 $0x1, s2;
	s3 =	sshll.u32 s1, $0x1  }
0x5: {  	s13 =	simm.s32 $0x0;
	s12 =	simm.s32 $0x0;
	s6 =	sor.u32 s3, s2  }
0x6: {  	[sflag:s5] =	ssyncpa.u1 $0x0;
	s2 =	sadd.s32 $0x3C00, s8;
	s4 =	smul.u32 $0x4E20, s6  }
0x7: {  	s3 =	sadd.s32 $0x34C00, s8;
	p0 =	slt.u32 s6, $0x9;
	s6 =	simm.s32 $0x9C400  }
.Ltmp0:
0x8: {  	s6 =	simm.s32 @!p0 $0x0;
	s7 =	ssub.s32 $0xC3500, s4;
	(pc) =	sbr.rel .LBB2_1-.Ltmp0, $4  }
0x9: {  	s9 =	simm.s32 @!p0 $0x0;
	p0 =	sne.s32 s7, s6;
	s7 =	simm.s32 $0x1  }
0xa: {  	s8 =	sadd.s32 $0x21F800, s8;
	s6 =	simm.s32 $0x2;
	s7 =	simm.s32 @!p0 $0x0  }
0xb: {  	s11 =	smov.u32 s4;
	[sflag:s6] =	ssyncpa.u1 $0x0;
	s7 =	sadd.s32 s9, s7  }
0xc: {  	vm0 =	vmmov $0xffff;
	[sflag:s10] =	ssyncpa.u1 $0x0;
	s10 =	simm.s32 $0x0;
	s9 =	sadd.s32 $0x1, s7  }
.LBB2_4:
0xd: {  	v2 =	vnsel vm1, $0x0, v2  }
0xe: {  	vm1 =	vgt.s32 v0, $0x0;
	v2 =	vmin.u32 v2, $0xC34FF  }
0xf: {  	v0 =	vnsel vm1, $0x0, v0  }
0x10: {  	v0 =	vmin.u32 v0, $0xC34FF  }
0x11: {  	[tilespmem:s18], [sflag:$0x1] =	stream.indirect_vreg.gather [hbm4b:s2+s10], $0x1, v1, vm0, $0x4038;
	[tilespmem:$0x13880] =	vst v63  }
0x12: {  	(ifvalue) =	ssetifvalue $0x7FFFFFFF  }
0x13: {  	[tilespmem:s15], [sflag:$0x1] =	stream.indirect_vreg.gather [hbm4b:s2+s10], $0x1, v2, vm0, $0x4038;
	[tilespmem:$0x13880] =	vst v63  }
0x14: {  	s29 =	sadd.s32 $0x10, s15;
	(ifvalue) =	ssetifvalue $0x7FFFFFFF  }
0x15: {  	[tilespmem:s29], [sflag:$0x1] =	stream.indirect_vreg.gather [hbm4b:s2+s10], $0x1, v0, vm0, $0x4038;
	[tilespmem:$0x13880] =	vst v63  }
0x16: {  	_ =	swait.ge [sflag:s5], $0x4E20  }
0x17: {  	s30 =	sshrl.u32 s13, $0x3;
	[sflag:s5] =	ssyncset.done $0x0  }
0x18: {  	s31 =	sand.u32 $0x7, s13;
	s15 =	sadd.s32 s8, s30;
	[sflag:s5] =	ssyncadd.s32 $0xFFFFB1E0  }
0x19: {  	[hbm4b:s15+s31] =	stream.linear.scatter [tilespmem:s14], [sflag:$0x3], $0x4E20, $0x38;
	[tilespmem:$0x13880] =	vst v63  }
.LBB2_5:
0x1a: {  	s15 =	sadd.s32 $0x9C400, s11  }
0x1b: {  	p1 =	sgt.s32 s15, $0xC34FF  }
0x1c: {  	s15 =	smov.u32 @p1 s4;
	p1 =	sne.s32 s12, s9  }
.Ltmp1:
0x1d: {  	p0 =	slt.u32 s12, $0x2;
	(pc) =	sbr.rel @!p1 .LBB2_6-.Ltmp1, $4  }
0x1e: {  	s14 =	simm.s32 @!p0 $0x3  }
0x1f: {  	_ =	swait.ge @!p0 [sflag:s14], $0x4E20  }
0x20: {  	s16 =	sadd.s32 $0x1, s12;
	s13 =	smov.u32 s11;
	[sflag:s14] =	ssyncset.done @!p0 $0x0  }
0x21: {  	s12 =	smov.u32 s16;
	s11 =	smov.u32 s15;
	[sflag:s14] =	ssyncadd.s32 @!p0 $0xFFFFB1E0  }
.LBB2_1:
0x22: {  	p0 =	sge.u32 s12, s7  }
0x23: {  	s14 =	sxor.u32 @!p0 $0x1, s12  }
0x24: {  	s14 =	smul.u32 @!p0 $0x13880, s14  }
0x25: {  	s31 =	sadd.s32 $0xFFFFFFFF, s12;
	s15 =	sshrl.u32 @!p0 s11, $0x3  }
0x26: {  	s16 =	sand.u32 @!p0 $0x7, s11;
	s15 =	sadd.s32 @!p0 s3, s15;
	s14 =	sshra.s32 @!p0 s14, $0x2  }
0x27: {  	[tilespmem:s14], [sflag:$0x2] =	stream.linear.gather @!p0 [hbm4b:s15+s16], $0x4E20, $0x38;
	[tilespmem:$0x13880] =	vst v63  }
0x28: {  	p0 =	sge.u32 s31, s7  }
.Ltmp2:
0x29: {  	_ = 	snop;
	(pc) =	sbr.rel @p0 .LBB2_5-.Ltmp2, $1  }
0x2a: {  	_ =	sdelay $0x3  }
0x2b: {  	s14 =	sand.u32 $0x1, s12  }
0x2c: {  	_ =	swait.ge [sflag:s6], $0x4E20;
	p0 =	seq.s32 s14, $0x1;
	s14 =	simm.s32 $0x4E20  }
0x2d: {  	[sflag:s6] =	ssyncset.done $0x0;
	s14 =	simm.s32 @!p0 $0x0  }
0x2e: {  	[sflag:s6] =	ssyncadd.s32 $0xFFFFB1E0;
	(ifvalue) =	ssetifvalue $0x7FFFFFFF;
	v0 =	vld.msk [tilespmem:s14+$0x0 ss:$0x1], $0xffff;
	_ =	sdelay $0x4  }
0x2f: {  	s15 =	sadd.s32 $0x10, s14;
	vm1 =	vgt.s32 v0, $0x0  }
0x30: {  	v2 =	vld.msk [tilespmem:s15+$0x0 ss:$0x1], $0xffff;
	v1 =	vnsel vm1, $0x0, v0  }
0x31: {  	v1 =	vmin.u32 v1, $0xC34FF;
	_ =	sdelay $0x2  }
0x32: {  	s17 =	simm.s32 $0x20;
	s14 =	sadd.s32 $0x9C40, s14;
	s16 =	sadd.s32 $0x10, s15  }
0x33: {  	s15 =	sadd.s32 $0x10, s14;
	s18 =	smov.u32 s14;
	v0 =	vld.msk [tilespmem:s16+$0x0 ss:$0x1], $0xffff;
	vm1 =	vgt.s32 v2, $0x0;
	(ifvalue) =	ssetifvalue $0x7FFFFFFF  }
.LBB2_3:
0x34: {  	[tilespmem:s18], [sflag:$0x1] =	stream.indirect_vreg.gather [hbm4b:s2+s10], $0x1, v1, vm0, $0x4038;
	[tilespmem:$0x13880] =	vst v63  }
0x35: {  	s17 =	sadd.s32 $0x10, s17  }
0x36: {  	v2 =	vnsel vm1, $0x0, v2;
	p0 =	slt.u32 s17, $0x4E10  }
.Ltmp3:
0x37: {  	s18 =	smov.u32 s15;
	v1 =	vmin.u32 v2, $0xC34FF;
	(pc) =	sbr.rel @p0 .LBB2_3-.Ltmp3, $3  }
0x38: {  	_ =	sdelay $0x1  }
0x39: {  	s16 =	sadd.s32 $0x10, s16  }
0x3a: {  	vm1 =	vgt.s32 v0, $0x0;
	s15 =	sadd.s32 $0x10, s15;
	v2 =	vmov v0;
	(ifvalue) =	ssetifvalue $0x7FFFFFFF;
	v0 =	vld.msk [tilespmem:s16+$0x0 ss:$0x1], $0xffff  }
.Ltmp4:
0x3b: {  	_ = 	snop;
	(pc) =	sbr.rel .LBB2_4-.Ltmp4, $1  }
0x3c: {  	_ =	sdelay $0x3  }
.LBB2_6:
0x3d: {  	_ =	sfence.sel $0x180000  }
0x3e: {  	s2 =	simm.s32 $0x2;
	[bflag:$0x0] =	sbarrier.arrive $0xFFFF  }
0x3f: {  	s30 =	simm.s32 $0x3;
	[sflag:s2] =	ssyncpa.u1 $0x1  }
0x40: {  	s31 =	simm.s32 $0x1;
	[sflag:s30] =	ssyncpa.u1 $0x1  }
0x41: {  	[sflag:s31] =	ssyncpa.u1 $0x1  }
0x42: {  	p0 =	sne.s32 s1, $0x0;
	_ =	strace $0x9000004D  }
0x43: {  	s0 =	sadd.s32 @!p0 $0x100000, s0;
	[bflag:$0x2] =	sbarrier.arrive $0xFFFF  }
0x44: {  	[sflag:s0] =	ssyncadd.tile.s32 @!p0 $0x1;
	_ =	shalt  }
.Lfunc_end2:
_tile_overlayer_lowered:
.L_overlay_start_2:
0x45: {  	(tag) =	ssettag $0x2  }
0x46: {  	s0 =	rddreg [dreg:$0x0];
	s2 =	stileid.u32  }
0x47: {  	s1 =	rddreg [dreg:$0x1];
	p0 =	sne.s32 s2, $0x0  }
0x48: {  	s3 =	rddreg [dreg:$0x2];
	[bflag:$0x3] =	sbarrier.arrive $0xFFFF;
	s2 =	simm.s32 @!p0 $0x1C01  }
0x49: {  	[timem:s3], [sflag:s2] =	dma.local @!p0 [hbm:s0], s1  }
0x4a: {  	s0 =	simm.s32 @!p0 $0x1  }
0x4b: {  	_ =	swait.ge @!p0 [sflag:s0], s1  }
0x4c: {  	s1 =	ssub.s32 @!p0 $0x0, s1;
	[sflag:s0] =	ssyncset.done @!p0 $0x0  }
0x4d: {  	[sflag:s0] =	ssyncadd.s32 @!p0 s1  }
0x4e: {  	[bflag:$0x3] =	sbarrier.arrive $0xFFFF  }
0x4f: {  	_ =	shalt  }

// kernel: gather_offload_async_start
scs
__scs_entry_jumppad:
0x0: {  	(pc) =	sbr.rel $0x88, $3  }
0x1: {  	(tag) =	ssettag $0x0;
	lr =	simm.s32 $0x1  }
0x2: {  	[smem:$0x3F8C] =	sst lr;
	_ =	strace $0xD0000000  }
0x3: {  	_ = 	snop  }
0x4: {  	_ = 	snop  }
0x5: {  	_ = 	snop  }
0x6: {  	_ = 	snop  }
0x7: {  	_ = 	snop  }
__scs_overlays_trampoline_lowered:
0x8: {  	[smem:$0x3F9B] =	sst s0  }
0x9: {  	[smem:$0x3F9C] =	sst s1  }
0xa: {  	[smem:$0x3F9D] =	sst s2  }
0xb: {  	[smem:$0x3F9E] =	sst s3  }
0xc: {  	[smem:$0x3F9F] =	sst s4  }
0xd: {  	[smem:$0x3FA0] =	sst s5  }
0xe: {  	[smem:$0x3FA1] =	sst s6  }
0xf: {  	[smem:$0x3FA2] =	sst s7  }
0x10: {  	[smem:$0x3FA3] =	sst s8  }
0x11: {  	[smem:$0x3FA4] =	sst s9;
	s0 =	simm.s32 @!p0 $0x0  }
0x12: {  	s1 =	sld [smem:$0x3F8A];
	s0 =	simm.s32 @p0 $0x1  }
0x13: {  	[smem:$0x3FA5] =	sst s0;
	s0 =	simm.s32 @!p1 $0x0  }
0x14: {  	s2 =	sld [smem:$0x3F89];
	s0 =	simm.s32 @p1 $0x1  }
0x15: {  	[smem:$0x3FA6] =	sst s0;
	s0 =	simm.s32 @!p2 $0x0  }
0x16: {  	s3 =	sld [smem:$0x3FDB];
	s0 =	simm.s32 @p2 $0x1  }
0x17: {  	s4 =	simm.s32 $0x1BF5;
	[smem:$0x3FA8] =	sst s0  }
0x18: {  	s0 =	sld [smem:$0x3F8B];
	_ =	swait.ge [sflag:s4], $0x0  }
0x19: {  	s7 =	sld [smem:$0x3F8C]  }
0x1a: {  	s8 =	sadd.s32 $0xFFFFE003, lr  }
0x1b: {  	s9 =	sadd.s32 $0xFFFFFEF7, lr;
	s5 =	simm.s32 $0xFFFFFFFF;
	p2 =	slt.u32 s8, $0xFFFFF086  }
0x1c: {  	p1 =	slt.u32 s9, $0xF7A;
	s5 =	simm.s32 @!p2 $0x0  }
0x1d: {  	s5 =	simm.s32 @p1 $0x1;
	p0 =	seq.s32 s7, s2  }
0x1e: {  	s7 =	smul.u32 @!p0 $0xF7A, s2;
	p2 =	seq.s32 @!p0 s5, $0x0  }
0x1f: {  	s9 =	smul.u32 $0xF7A, s1;
	s8 =	simm.s32 @!p0 $0x1BF5;
	p2 =	por !p2, p0  }
0x20: {  	[sflag:s8] =	ssyncset.s32 @!p0 $0xFFFFF086;
	s6 =	sadd.s32 @!p0 s3, s7;
	s7 =	simm.s32 @!p0 $0x108  }
0x21: {  	s3 =	sadd.s32 s3, s9;
	s6 =	sadd.s32 @!p0 $0x88, s6;
	s7 =	simm.s32 @p2 $0x1082  }
0x22: {  	[simem:s7], [sflag:s8] =	dma.local @!p0 [hbm:s6], $0xF7A  }
0x23: {  	s9 =	sor.u32 $0xD0000000, s2;
	s6 =	simm.s32 $0x108;
	_ =	swait.ge @!p0 [sflag:s8], $0x0  }
0x24: {  	s3 =	sadd.s32 $0x88, s3;
	s6 =	simm.s32 @!p1 $0x1082;
	[sflag:s4] =	ssyncset.s32 $0xFFFFF086  }
0x25: {  	[simem:s6], [sflag:s4] =	dma.local [hbm:s3], $0xF7A  }
0x26: {  	[smem:$0x3F8C] =	sst s1;
	(tag) =	ssettag s2;
	_ =	strace s9  }
0x27: {  	s1 =	sld [smem:$0x3F9C]  }
0x28: {  	s2 =	sld [smem:$0x3F9D]  }
0x29: {  	s4 =	sld [smem:$0x3F9F]  }
0x2a: {  	p0 =	seq.s32 s5, $0x0;
	s5 =	sld [smem:$0x3FA0]  }
0x2b: {  	s6 =	sld [smem:$0x3FA1]  }
0x2c: {  	s7 =	sld [smem:$0x3FA2]  }
0x2d: {  	s3 =	simm.s32 $0x108;
	s8 =	sld [smem:$0x3FA3]  }
0x2e: {  	s3 =	simm.s32 @!p0 $0x1082;
	s9 =	sld [smem:$0x3FA4]  }
0x2f: {  	lr =	sadd.s32 s0, s3;
	s0 =	sld [smem:$0x3F9B]  }
0x30: {  	s3 =	sld [smem:$0x3F9E]  }
0x31: {  	[smem:$0x3FA7] =	sst s10  }
0x32: {  	s10 =	sld [smem:$0x3FA5];
	_ =	sdelay $0x3  }
0x33: {  	p0 =	seq.s32 s10, $0x1;
	s10 =	sld [smem:$0x3FA7];
	_ =	sdelay $0x3  }
0x34: {  	[smem:$0x3FA7] =	sst s10  }
0x35: {  	s10 =	sld [smem:$0x3FA6];
	_ =	sdelay $0x3  }
0x36: {  	p1 =	seq.s32 s10, $0x1;
	s10 =	sld [smem:$0x3FA7];
	_ =	sdelay $0x3  }
0x37: {  	[smem:$0x3FA7] =	sst s10  }
0x38: {  	s10 =	sld [smem:$0x3FA8]  }
0x39: {  	_ = 	snop;
	(pc) =	sbr.ind lr, $3  }
0x3a: {  	_ = 	snop  }
0x3b: {  	_ = 	snop  }
0x3c: {  	p2 =	seq.s32 s10, $0x1;
	s10 =	sld [smem:$0x3FA7]  }
0x3d: {  	_ =	shalt  }
0x3e: {  	_ =	shalt  }
0x3f: {  	_ =	shalt  }
0x40: {  	_ =	shalt  }
0x41: {  	_ =	shalt  }
0x42: {  	_ =	shalt  }
0x43: {  	_ =	shalt  }
0x44: {  	_ =	shalt  }
0x45: {  	_ =	shalt  }
0x46: {  	_ =	shalt  }
0x47: {  	_ =	shalt  }
0x48: {  	_ =	shalt  }
0x49: {  	_ =	shalt  }
0x4a: {  	_ =	shalt  }
0x4b: {  	_ =	shalt  }
0x4c: {  	_ =	shalt  }
0x4d: {  	_ =	shalt  }
0x4e: {  	_ =	shalt  }
0x4f: {  	_ =	shalt  }
0x50: {  	_ =	shalt  }
0x51: {  	_ =	shalt  }
0x52: {  	_ =	shalt  }
0x53: {  	_ =	shalt  }
0x54: {  	_ =	shalt  }
0x55: {  	_ =	shalt  }
0x56: {  	_ =	shalt  }
0x57: {  	_ =	shalt  }
0x58: {  	_ =	shalt  }
0x59: {  	_ =	shalt  }
0x5a: {  	_ =	shalt  }
0x5b: {  	_ =	shalt  }
0x5c: {  	_ =	shalt  }
0x5d: {  	_ =	shalt  }
0x5e: {  	_ =	shalt  }
0x5f: {  	_ =	shalt  }
0x60: {  	_ =	shalt  }
0x61: {  	_ =	shalt  }
0x62: {  	_ =	shalt  }
0x63: {  	_ =	shalt  }
0x64: {  	_ =	shalt  }
0x65: {  	_ =	shalt  }
0x66: {  	_ =	shalt  }
0x67: {  	_ =	shalt  }
0x68: {  	_ =	shalt  }
0x69: {  	_ =	shalt  }
0x6a: {  	_ =	shalt  }
0x6b: {  	_ =	shalt  }
0x6c: {  	_ =	shalt  }
0x6d: {  	_ =	shalt  }
0x6e: {  	_ =	shalt  }
0x6f: {  	_ =	shalt  }
0x70: {  	_ =	shalt  }
0x71: {  	_ =	shalt  }
0x72: {  	_ =	shalt  }
0x73: {  	_ =	shalt  }
0x74: {  	_ =	shalt  }
0x75: {  	_ =	shalt  }
0x76: {  	_ =	shalt  }
0x77: {  	_ =	shalt  }
0x78: {  	_ =	shalt  }
0x79: {  	_ =	shalt  }
0x7a: {  	_ =	shalt  }
0x7b: {  	_ =	shalt  }
0x7c: {  	_ =	shalt  }
0x7d: {  	_ =	shalt  }
0x7e: {  	_ =	shalt  }
0x7f: {  	_ =	shalt  }
0x80: {  	_ =	shalt  }
0x81: {  	_ =	shalt  }
0x82: {  	_ =	shalt  }
0x83: {  	_ =	shalt  }
0x84: {  	_ =	shalt  }
0x85: {  	_ =	shalt  }
0x86: {  	_ =	shalt  }
0x87: {  	_ =	shalt  }
.Lfunc_end0:
.L_simem_size_0:
called_computation.1_lowered:
.L_overlay_start_0:
0x88: {  	s2 =	sld [smem:$0x3FD9]  }
0x89: {  	s3 =	sld [smem:$0x3FFE];
	_ =	sdelay $0x1  }
0x8a: {  	s1 =	srdreg.scid  }
0x8b: {  	s0 =	sand.u32 $0x1, s1  }
0x8c: {  	s16 =	sshll.u32 s0, $0xA;
	s2 =	sadd.s32 s3, s2  }
0x8d: {  	s2 =	sadd.s32 s2, s16  }
0x8e: {  	[smem:$0x3FB3] =	sst s2  }
0x8f: {  	_ = 	snop  }
0x90: {  	(tm) =	ssettm $0x1  }
0x91: {  	s17 =	sld [smem:$0x3FFB];
	_ =	sdelay $0x3  }
0x92: {  	_ =	strace s17  }
0x93: {  	s2 =	sld [smem:$0x3FFC];
	_ =	sdelay $0x3  }
0x94: {  	_ =	strace s2  }
0x95: {  	s2 =	sld [smem:$0x3FFD];
	_ =	sdelay $0x3  }
0x96: {  	_ =	strace s2  }
0x97: {  	_ =	strace $0x8FFFFFFF  }
0x98: {  	s18 =	sld [smem:$0x3FDB];
	_ =	sdelay $0x1  }
0x99: {  	s19 =	simm.s32 $_scs_section_size  }
0x9a: {  	s4 =	simm.s32 $_size__tile_overlayer_lowered;
	s5 =	simm.s32 $_tile_overlayer_lowered  }
0x9b: {  	s22 =	simm.s32 $0x1BFF;
	s21 =	sshll.u32 s5, $0x1;
	s2 =	sadd.s32 s19, s18  }
0x9c: {  	s6 =	simm.s32 $0x0;
	s20 =	sshll.u32 s4, $0x1;
	s4 =	sadd.s32 s21, s2  }
0x9d: {  	[timem:s6], [sflag:s22] =	dma.local [hbm:s4], s20  }
0x9e: {  	_ =	swait.ge [sflag:s22], s20  }
0x9f: {  	s3 =	ssub.s32 $0x0, s20;
	[sflag:s22] =	ssyncset.done $0x0  }
0xa0: {  	[sflag:s22] =	ssyncadd.s32 s3;
	_ =	sdelay $0x1  }
0xa1: {  	s23 =	simm.s32 $0x1B8B  }
0xa2: {  	_ =	swait.ge [sflag:s23], $0x1  }
0xa3: {  	[sflag:s23] =	ssyncset.done $0x0  }
0xa4: {  	s25 =	simm.s32 $0x1B8E;
	s24 =	sld [smem:$0x3FFE];
	[sflag:s23] =	ssyncadd.s32 $0xFFFFFFFF  }
0xa5: {  	s26 =	simm.s32 $execute0_lowered;
	[smem:$0x3FD2] =	sst s25  }
0xa6: {  	s4 =	sshll.u32 s26, $0x1;
	_ =	strace $0x80000046;
	[dreg:$0x1] =	wrdreg $0xFFFFFFFF  }
0xa7: {  	s28 =	simm.s32 $_size_execute0_lowered;
	s2 =	sadd.s32 s2, s4;
	[dreg:$0x0] =	wrdreg $0x0  }
0xa8: {  	s4 =	sshll.u32 s28, $0x1;
	[dreg:$0x2] =	wrdreg s2  }
0xa9: {  	[dreg:$0x3] =	wrdreg s4  }
0xaa: {  	[dreg:$0x4] =	wrdreg $0xC0  }
0xab: {  	_ =	task [dreg:s6], $0x5FFFF  }
0xac: {  	[dreg:$0x1] =	wrdreg $0xFFFFFFFF  }
0xad: {  	[dreg:$0x0] =	wrdreg $0x60  }
0xae: {  	[dreg:$0x2] =	wrdreg s24  }
0xaf: {  	[dreg:$0x3] =	wrdreg $0x9  }
0xb0: {  	_ =	task.clear_ibuf [dreg:s6], $0x4FFFF;
	_ =	strace $0x90000046  }
0xb1: {  	s29 =	simm.s32 $0x9;
	_ =	strace $0x80000048  }
0xb2: {  	_ =	swait.ge [sflag:s29], $0x1  }
0xb3: {  	[sflag:s29] =	ssyncadd.s32 $0xFFFFFFFF  }
0xb4: {  	_ =	strace $0x90000048  }
0xb5: {  	_ =	sfence  }
0xb6: {  	s30 =	sld [smem:$0x0];
	_ =	sdelay $0x2  }
0xb7: {  	s31 =	sshll.u32 s1, $0xD;
	s1 =	sshrl.u32 s1, $0x2  }
0xb8: {  	s3 =	sand.u32 $0x4000, s31;
	s1 =	sadd.s32 s1, s30  }
0xb9: {  	s0 =	sor.u32 s3, s0;
	s1 =	sshll.u32 s1, $0x11  }
0xba: {  	s0 =	sor.u32 s1, s0  }
0xbb: {  	s0 =	sadd.s32 $0x8F2B, s0  }
0xbc: {  	[sflag:s0] =	ssyncadd.remote.s32 $0x1  }
0xbd: {  	_ =	sfence.sel $0xFFFF  }
0xbe: {  	[dreg:$0x0] =	wrdreg $0xFFFFFFFF;
	(pc) =	sbr.abs _section_cstart, $3  }
0xbf: {  	[dreg:$0x1] =	wrdreg $0xFFFFFFFF  }
0xc0: {  	_ =	task.clear_ibuf [dreg:s6], $0x2FFFF;
	_ =	strace $0x9FFFFFFF  }
0xc1: {  	(tm) =	ssettm $0x7FFFFFFF  }
tec
execute0_lowered:
.L_overlay_start_1:
0x0: {  	(tag) =	ssettag $0x1  }
0x1: {  	s8 =	rddreg [dreg:$0x0];
	s1 =	stileid.u32  }
0x2: {  	s2 =	srdreg.scid;
	s0 =	rddreg [dreg:$0x1]  }
0x3: {  	_ =	strace $0x80000047;
	s5 =	simm.s32 $0x1;
	s9 =	simm.s32 $0x1  }
0x4: {  	s10 =	simm.s32 $0x3;
	s2 =	sand.u32 $0x1, s2;
	s3 =	sshll.u32 s1, $0x1  }
0x5: {  	s13 =	simm.s32 $0x0;
	s12 =	simm.s32 $0x0;
	s6 =	sor.u32 s3, s2  }
0x6: {  	[sflag:s5] =	ssyncpa.u1 $0x0;
	s2 =	sadd.s32 $0x1C400, s8;
	s4 =	smul.u32 $0x4E20, s6  }
0x7: {  	s3 =	sadd.s32 $0x34C00, s8;
	p0 =	slt.u32 s6, $0x9;
	s6 =	simm.s32 $0x9C400  }
.Ltmp0:
0x8: {  	s6 =	simm.s32 @!p0 $0x0;
	s7 =	ssub.s32 $0xC3500, s4;
	(pc) =	sbr.rel .LBB2_1-.Ltmp0, $4  }
0x9: {  	s9 =	simm.s32 @!p0 $0x0;
	p0 =	sne.s32 s7, s6;
	s7 =	simm.s32 $0x1  }
0xa: {  	s8 =	sadd.s32 $0x112000, s8;
	s6 =	simm.s32 $0x2;
	s7 =	simm.s32 @!p0 $0x0  }
0xb: {  	s11 =	smov.u32 s4;
	[sflag:s6] =	ssyncpa.u1 $0x0;
	s7 =	sadd.s32 s9, s7  }
0xc: {  	vm0 =	vmmov $0xffff;
	[sflag:s10] =	ssyncpa.u1 $0x0;
	s10 =	simm.s32 $0x0;
	s9 =	sadd.s32 $0x1, s7  }
.LBB2_4:
0xd: {  	v2 =	vnsel vm1, $0x0, v2  }
0xe: {  	vm1 =	vgt.s32 v0, $0x0;
	v2 =	vmin.u32 v2, $0xC34FF  }
0xf: {  	v0 =	vnsel vm1, $0x0, v0  }
0x10: {  	v0 =	vmin.u32 v0, $0xC34FF  }
0x11: {  	[tilespmem:s18], [sflag:$0x1] =	stream.indirect_vreg.gather [hbm4b:s2+s10], $0x1, v1, vm0, $0x4038;
	[tilespmem:$0x13880] =	vst v63  }
0x12: {  	(ifvalue) =	ssetifvalue $0x7FFFFFFF  }
0x13: {  	[tilespmem:s15], [sflag:$0x1] =	stream.indirect_vreg.gather [hbm4b:s2+s10], $0x1, v2, vm0, $0x4038;
	[tilespmem:$0x13880] =	vst v63  }
0x14: {  	s29 =	sadd.s32 $0x10, s15;
	(ifvalue) =	ssetifvalue $0x7FFFFFFF  }
0x15: {  	[tilespmem:s29], [sflag:$0x1] =	stream.indirect_vreg.gather [hbm4b:s2+s10], $0x1, v0, vm0, $0x4038;
	[tilespmem:$0x13880] =	vst v63  }
0x16: {  	_ =	swait.ge [sflag:s5], $0x4E20  }
0x17: {  	s30 =	sshrl.u32 s13, $0x3;
	[sflag:s5] =	ssyncset.done $0x0  }
0x18: {  	s31 =	sand.u32 $0x7, s13;
	s15 =	sadd.s32 s8, s30;
	[sflag:s5] =	ssyncadd.s32 $0xFFFFB1E0  }
0x19: {  	[hbm4b:s15+s31] =	stream.linear.scatter [tilespmem:s14], [sflag:$0x3], $0x4E20, $0x38;
	[tilespmem:$0x13880] =	vst v63  }
.LBB2_5:
0x1a: {  	s15 =	sadd.s32 $0x9C400, s11  }
0x1b: {  	p1 =	sgt.s32 s15, $0xC34FF  }
0x1c: {  	s15 =	smov.u32 @p1 s4;
	p1 =	sne.s32 s12, s9  }
.Ltmp1:
0x1d: {  	p0 =	slt.u32 s12, $0x2;
	(pc) =	sbr.rel @!p1 .LBB2_6-.Ltmp1, $4  }
0x1e: {  	s14 =	simm.s32 @!p0 $0x3  }
0x1f: {  	_ =	swait.ge @!p0 [sflag:s14], $0x4E20  }
0x20: {  	s16 =	sadd.s32 $0x1, s12;
	s13 =	smov.u32 s11;
	[sflag:s14] =	ssyncset.done @!p0 $0x0  }
0x21: {  	s12 =	smov.u32 s16;
	s11 =	smov.u32 s15;
	[sflag:s14] =	ssyncadd.s32 @!p0 $0xFFFFB1E0  }
.LBB2_1:
0x22: {  	p0 =	sge.u32 s12, s7  }
0x23: {  	s14 =	sxor.u32 @!p0 $0x1, s12  }
0x24: {  	s14 =	smul.u32 @!p0 $0x13880, s14  }
0x25: {  	s31 =	sadd.s32 $0xFFFFFFFF, s12;
	s15 =	sshrl.u32 @!p0 s11, $0x3  }
0x26: {  	s16 =	sand.u32 @!p0 $0x7, s11;
	s15 =	sadd.s32 @!p0 s3, s15;
	s14 =	sshra.s32 @!p0 s14, $0x2  }
0x27: {  	[tilespmem:s14], [sflag:$0x2] =	stream.linear.gather @!p0 [hbm4b:s15+s16], $0x4E20, $0x38;
	[tilespmem:$0x13880] =	vst v63  }
0x28: {  	p0 =	sge.u32 s31, s7  }
.Ltmp2:
0x29: {  	_ = 	snop;
	(pc) =	sbr.rel @p0 .LBB2_5-.Ltmp2, $1  }
0x2a: {  	_ =	sdelay $0x3  }
0x2b: {  	s14 =	sand.u32 $0x1, s12  }
0x2c: {  	_ =	swait.ge [sflag:s6], $0x4E20;
	p0 =	seq.s32 s14, $0x1;
	s14 =	simm.s32 $0x4E20  }
0x2d: {  	[sflag:s6] =	ssyncset.done $0x0;
	s14 =	simm.s32 @!p0 $0x0  }
0x2e: {  	[sflag:s6] =	ssyncadd.s32 $0xFFFFB1E0;
	(ifvalue) =	ssetifvalue $0x7FFFFFFF;
	v0 =	vld.msk [tilespmem:s14+$0x0 ss:$0x1], $0xffff;
	_ =	sdelay $0x4  }
0x2f: {  	s15 =	sadd.s32 $0x10, s14;
	vm1 =	vgt.s32 v0, $0x0  }
0x30: {  	v2 =	vld.msk [tilespmem:s15+$0x0 ss:$0x1], $0xffff;
	v1 =	vnsel vm1, $0x0, v0  }
0x31: {  	v1 =	vmin.u32 v1, $0xC34FF;
	_ =	sdelay $0x2  }
0x32: {  	s17 =	simm.s32 $0x20;
	s14 =	sadd.s32 $0x9C40, s14;
	s16 =	sadd.s32 $0x10, s15  }
0x33: {  	s15 =	sadd.s32 $0x10, s14;
	s18 =	smov.u32 s14;
	v0 =	vld.msk [tilespmem:s16+$0x0 ss:$0x1], $0xffff;
	vm1 =	vgt.s32 v2, $0x0;
	(ifvalue) =	ssetifvalue $0x7FFFFFFF  }
.LBB2_3:
0x34: {  	[tilespmem:s18], [sflag:$0x1] =	stream.indirect_vreg.gather [hbm4b:s2+s10], $0x1, v1, vm0, $0x4038;
	[tilespmem:$0x13880] =	vst v63  }
0x35: {  	s17 =	sadd.s32 $0x10, s17  }
0x36: {  	v2 =	vnsel vm1, $0x0, v2;
	p0 =	slt.u32 s17, $0x4E10  }
.Ltmp3:
0x37: {  	s18 =	smov.u32 s15;
	v1 =	vmin.u32 v2, $0xC34FF;
	(pc) =	sbr.rel @p0 .LBB2_3-.Ltmp3, $3  }
0x38: {  	_ =	sdelay $0x1  }
0x39: {  	s16 =	sadd.s32 $0x10, s16  }
0x3a: {  	vm1 =	vgt.s32 v0, $0x0;
	s15 =	sadd.s32 $0x10, s15;
	v2 =	vmov v0;
	(ifvalue) =	ssetifvalue $0x7FFFFFFF;
	v0 =	vld.msk [tilespmem:s16+$0x0 ss:$0x1], $0xffff  }
.Ltmp4:
0x3b: {  	_ = 	snop;
	(pc) =	sbr.rel .LBB2_4-.Ltmp4, $1  }
0x3c: {  	_ =	sdelay $0x3  }
.LBB2_6:
0x3d: {  	_ =	sfence.sel $0x180000  }
0x3e: {  	s2 =	simm.s32 $0x2;
	[bflag:$0x0] =	sbarrier.arrive $0xFFFF  }
0x3f: {  	s30 =	simm.s32 $0x3;
	[sflag:s2] =	ssyncpa.u1 $0x1  }
0x40: {  	s31 =	simm.s32 $0x1;
	[sflag:s30] =	ssyncpa.u1 $0x1  }
0x41: {  	[sflag:s31] =	ssyncpa.u1 $0x1  }
0x42: {  	p0 =	sne.s32 s1, $0x0;
	_ =	strace $0x90000047  }
0x43: {  	s0 =	sadd.s32 @!p0 $0x100000, s0;
	[bflag:$0x2] =	sbarrier.arrive $0xFFFF  }
0x44: {  	[sflag:s0] =	ssyncadd.tile.s32 @!p0 $0x1;
	_ =	shalt  }
.Lfunc_end2:
_tile_overlayer_lowered:
.L_overlay_start_2:
0x45: {  	(tag) =	ssettag $0x2  }
0x46: {  	s0 =	rddreg [dreg:$0x0];
	s2 =	stileid.u32  }
0x47: {  	s1 =	rddreg [dreg:$0x1];
	p0 =	sne.s32 s2, $0x0  }
0x48: {  	s3 =	rddreg [dreg:$0x2];
	[bflag:$0x3] =	sbarrier.arrive $0xFFFF;
	s2 =	simm.s32 @!p0 $0x1C01  }
0x49: {  	[timem:s3], [sflag:s2] =	dma.local @!p0 [hbm:s0], s1  }
0x4a: {  	s0 =	simm.s32 @!p0 $0x1  }
0x4b: {  	_ =	swait.ge @!p0 [sflag:s0], s1  }
0x4c: {  	s1 =	ssub.s32 @!p0 $0x0, s1;
	[sflag:s0] =	ssyncset.done @!p0 $0x0  }
0x4d: {  	[sflag:s0] =	ssyncadd.s32 @!p0 s1  }
0x4e: {  	[bflag:$0x3] =	sbarrier.arrive $0xFFFF  }
0x4f: {  	_ =	shalt  }

// kernel: scatter_offload_async_start
scs
__scs_entry_jumppad:
0x0: {  	(pc) =	sbr.rel $0x88, $3  }
0x1: {  	(tag) =	ssettag $0x0;
	lr =	simm.s32 $0x1  }
0x2: {  	[smem:$0x3F8C] =	sst lr;
	_ =	strace $0xD0000000  }
0x3: {  	_ = 	snop  }
0x4: {  	_ = 	snop  }
0x5: {  	_ = 	snop  }
0x6: {  	_ = 	snop  }
0x7: {  	_ = 	snop  }
__scs_overlays_trampoline_lowered:
0x8: {  	[smem:$0x3F9B] =	sst s0  }
0x9: {  	[smem:$0x3F9C] =	sst s1  }
0xa: {  	[smem:$0x3F9D] =	sst s2  }
0xb: {  	[smem:$0x3F9E] =	sst s3  }
0xc: {  	[smem:$0x3F9F] =	sst s4  }
0xd: {  	[smem:$0x3FA0] =	sst s5  }
0xe: {  	[smem:$0x3FA1] =	sst s6  }
0xf: {  	[smem:$0x3FA2] =	sst s7  }
0x10: {  	[smem:$0x3FA3] =	sst s8  }
0x11: {  	[smem:$0x3FA4] =	sst s9;
	s0 =	simm.s32 @!p0 $0x0  }
0x12: {  	s1 =	sld [smem:$0x3F8A];
	s0 =	simm.s32 @p0 $0x1  }
0x13: {  	[smem:$0x3FA5] =	sst s0;
	s0 =	simm.s32 @!p1 $0x0  }
0x14: {  	s2 =	sld [smem:$0x3F89];
	s0 =	simm.s32 @p1 $0x1  }
0x15: {  	[smem:$0x3FA6] =	sst s0;
	s0 =	simm.s32 @!p2 $0x0  }
0x16: {  	s3 =	sld [smem:$0x3FDB];
	s0 =	simm.s32 @p2 $0x1  }
0x17: {  	s4 =	simm.s32 $0x1BF5;
	[smem:$0x3FA8] =	sst s0  }
0x18: {  	s0 =	sld [smem:$0x3F8B];
	_ =	swait.ge [sflag:s4], $0x0  }
0x19: {  	s7 =	sld [smem:$0x3F8C]  }
0x1a: {  	s8 =	sadd.s32 $0xFFFFE003, lr  }
0x1b: {  	s9 =	sadd.s32 $0xFFFFFEF7, lr;
	s5 =	simm.s32 $0xFFFFFFFF;
	p2 =	slt.u32 s8, $0xFFFFF086  }
0x1c: {  	p1 =	slt.u32 s9, $0xF7A;
	s5 =	simm.s32 @!p2 $0x0  }
0x1d: {  	s5 =	simm.s32 @p1 $0x1;
	p0 =	seq.s32 s7, s2  }
0x1e: {  	s7 =	smul.u32 @!p0 $0xF7A, s2;
	p2 =	seq.s32 @!p0 s5, $0x0  }
0x1f: {  	s9 =	smul.u32 $0xF7A, s1;
	s8 =	simm.s32 @!p0 $0x1BF5;
	p2 =	por !p2, p0  }
0x20: {  	[sflag:s8] =	ssyncset.s32 @!p0 $0xFFFFF086;
	s6 =	sadd.s32 @!p0 s3, s7;
	s7 =	simm.s32 @!p0 $0x108  }
0x21: {  	s3 =	sadd.s32 s3, s9;
	s6 =	sadd.s32 @!p0 $0x88, s6;
	s7 =	simm.s32 @p2 $0x1082  }
0x22: {  	[simem:s7], [sflag:s8] =	dma.local @!p0 [hbm:s6], $0xF7A  }
0x23: {  	s9 =	sor.u32 $0xD0000000, s2;
	s6 =	simm.s32 $0x108;
	_ =	swait.ge @!p0 [sflag:s8], $0x0  }
0x24: {  	s3 =	sadd.s32 $0x88, s3;
	s6 =	simm.s32 @!p1 $0x1082;
	[sflag:s4] =	ssyncset.s32 $0xFFFFF086  }
0x25: {  	[simem:s6], [sflag:s4] =	dma.local [hbm:s3], $0xF7A  }
0x26: {  	[smem:$0x3F8C] =	sst s1;
	(tag) =	ssettag s2;
	_ =	strace s9  }
0x27: {  	s1 =	sld [smem:$0x3F9C]  }
0x28: {  	s2 =	sld [smem:$0x3F9D]  }
0x29: {  	s4 =	sld [smem:$0x3F9F]  }
0x2a: {  	p0 =	seq.s32 s5, $0x0;
	s5 =	sld [smem:$0x3FA0]  }
0x2b: {  	s6 =	sld [smem:$0x3FA1]  }
0x2c: {  	s7 =	sld [smem:$0x3FA2]  }
0x2d: {  	s3 =	simm.s32 $0x108;
	s8 =	sld [smem:$0x3FA3]  }
0x2e: {  	s3 =	simm.s32 @!p0 $0x1082;
	s9 =	sld [smem:$0x3FA4]  }
0x2f: {  	lr =	sadd.s32 s0, s3;
	s0 =	sld [smem:$0x3F9B]  }
0x30: {  	s3 =	sld [smem:$0x3F9E]  }
0x31: {  	[smem:$0x3FA7] =	sst s10  }
0x32: {  	s10 =	sld [smem:$0x3FA5];
	_ =	sdelay $0x3  }
0x33: {  	p0 =	seq.s32 s10, $0x1;
	s10 =	sld [smem:$0x3FA7];
	_ =	sdelay $0x3  }
0x34: {  	[smem:$0x3FA7] =	sst s10  }
0x35: {  	s10 =	sld [smem:$0x3FA6];
	_ =	sdelay $0x3  }
0x36: {  	p1 =	seq.s32 s10, $0x1;
	s10 =	sld [smem:$0x3FA7];
	_ =	sdelay $0x3  }
0x37: {  	[smem:$0x3FA7] =	sst s10  }
0x38: {  	s10 =	sld [smem:$0x3FA8]  }
0x39: {  	_ = 	snop;
	(pc) =	sbr.ind lr, $3  }
0x3a: {  	_ = 	snop  }
0x3b: {  	_ = 	snop  }
0x3c: {  	p2 =	seq.s32 s10, $0x1;
	s10 =	sld [smem:$0x3FA7]  }
0x3d: {  	_ =	shalt  }
0x3e: {  	_ =	shalt  }
0x3f: {  	_ =	shalt  }
0x40: {  	_ =	shalt  }
0x41: {  	_ =	shalt  }
0x42: {  	_ =	shalt  }
0x43: {  	_ =	shalt  }
0x44: {  	_ =	shalt  }
0x45: {  	_ =	shalt  }
0x46: {  	_ =	shalt  }
0x47: {  	_ =	shalt  }
0x48: {  	_ =	shalt  }
0x49: {  	_ =	shalt  }
0x4a: {  	_ =	shalt  }
0x4b: {  	_ =	shalt  }
0x4c: {  	_ =	shalt  }
0x4d: {  	_ =	shalt  }
0x4e: {  	_ =	shalt  }
0x4f: {  	_ =	shalt  }
0x50: {  	_ =	shalt  }
0x51: {  	_ =	shalt  }
0x52: {  	_ =	shalt  }
0x53: {  	_ =	shalt  }
0x54: {  	_ =	shalt  }
0x55: {  	_ =	shalt  }
0x56: {  	_ =	shalt  }
0x57: {  	_ =	shalt  }
0x58: {  	_ =	shalt  }
0x59: {  	_ =	shalt  }
0x5a: {  	_ =	shalt  }
0x5b: {  	_ =	shalt  }
0x5c: {  	_ =	shalt  }
0x5d: {  	_ =	shalt  }
0x5e: {  	_ =	shalt  }
0x5f: {  	_ =	shalt  }
0x60: {  	_ =	shalt  }
0x61: {  	_ =	shalt  }
0x62: {  	_ =	shalt  }
0x63: {  	_ =	shalt  }
0x64: {  	_ =	shalt  }
0x65: {  	_ =	shalt  }
0x66: {  	_ =	shalt  }
0x67: {  	_ =	shalt  }
0x68: {  	_ =	shalt  }
0x69: {  	_ =	shalt  }
0x6a: {  	_ =	shalt  }
0x6b: {  	_ =	shalt  }
0x6c: {  	_ =	shalt  }
0x6d: {  	_ =	shalt  }
0x6e: {  	_ =	shalt  }
0x6f: {  	_ =	shalt  }
0x70: {  	_ =	shalt  }
0x71: {  	_ =	shalt  }
0x72: {  	_ =	shalt  }
0x73: {  	_ =	shalt  }
0x74: {  	_ =	shalt  }
0x75: {  	_ =	shalt  }
0x76: {  	_ =	shalt  }
0x77: {  	_ =	shalt  }
0x78: {  	_ =	shalt  }
0x79: {  	_ =	shalt  }
0x7a: {  	_ =	shalt  }
0x7b: {  	_ =	shalt  }
0x7c: {  	_ =	shalt  }
0x7d: {  	_ =	shalt  }
0x7e: {  	_ =	shalt  }
0x7f: {  	_ =	shalt  }
0x80: {  	_ =	shalt  }
0x81: {  	_ =	shalt  }
0x82: {  	_ =	shalt  }
0x83: {  	_ =	shalt  }
0x84: {  	_ =	shalt  }
0x85: {  	_ =	shalt  }
0x86: {  	_ =	shalt  }
0x87: {  	_ =	shalt  }
.Lfunc_end0:
.L_simem_size_0:
called_computation_lowered:
.L_overlay_start_0:
0x88: {  	s0 =	sld [smem:$0x3FD9]  }
0x89: {  	s1 =	sld [smem:$0x3FFE];
	_ =	sdelay $0x3  }
0x8a: {  	s0 =	sadd.s32 s1, s0  }
0x8b: {  	[smem:$0x3FB3] =	sst s0  }
0x8c: {  	_ = 	snop  }
0x8d: {  	s0 =	sld [smem:$0x3FD0];
	(tm) =	ssettm $0x1  }
0x8e: {  	s16 =	sld [smem:$0x3FFB];
	_ =	sdelay $0x3  }
0x8f: {  	_ =	strace s16  }
0x90: {  	s1 =	sld [smem:$0x3FFC];
	_ =	sdelay $0x3  }
0x91: {  	_ =	strace s1  }
0x92: {  	s1 =	sld [smem:$0x3FFD];
	_ =	sdelay $0x3  }
0x93: {  	_ =	strace s1  }
0x94: {  	_ =	strace $0x8FFFFFFF  }
0x95: {  	s17 =	sld [smem:$0x3FDB];
	_ =	sdelay $0x1  }
0x96: {  	s2 =	simm.s32 $_scs_section_size  }
0x97: {  	s3 =	simm.s32 $_size__tile_overlayer_lowered;
	s4 =	simm.s32 $_tile_overlayer_lowered  }
0x98: {  	s20 =	simm.s32 $0x1BFF;
	s19 =	sshll.u32 s4, $0x1;
	s1 =	sadd.s32 s2, s17  }
0x99: {  	s5 =	simm.s32 $0x0;
	s18 =	sshll.u32 s3, $0x1;
	s3 =	sadd.s32 s19, s1  }
0x9a: {  	[timem:s5], [sflag:s20] =	dma.local [hbm:s3], s18  }
0x9b: {  	_ =	swait.ge [sflag:s20], s18  }
0x9c: {  	s2 =	ssub.s32 $0x0, s18;
	[sflag:s20] =	ssyncset.done $0x0  }
0x9d: {  	[sflag:s20] =	ssyncadd.s32 s2;
	_ =	sdelay $0x1  }
0x9e: {  	s21 =	simm.s32 $0x1B8B  }
0x9f: {  	_ =	swait.ge [sflag:s21], $0x1  }
0xa0: {  	[sflag:s21] =	ssyncset.done $0x0  }
0xa1: {  	s23 =	simm.s32 $0x1B8E;
	s22 =	sld [smem:$0x3FFE];
	[sflag:s21] =	ssyncadd.s32 $0xFFFFFFFF  }
0xa2: {  	s24 =	simm.s32 $execute0_lowered;
	[smem:$0x3FD2] =	sst s23  }
0xa3: {  	s3 =	sshll.u32 s24, $0x1;
	_ =	strace $0x80000049;
	[dreg:$0x1] =	wrdreg $0xFFFFFFFF  }
0xa4: {  	s25 =	simm.s32 $_size_execute0_lowered;
	s1 =	sadd.s32 s1, s3;
	[dreg:$0x0] =	wrdreg $0x0  }
0xa5: {  	s3 =	sshll.u32 s25, $0x1;
	[dreg:$0x2] =	wrdreg s1  }
0xa6: {  	[dreg:$0x3] =	wrdreg s3  }
0xa7: {  	[dreg:$0x4] =	wrdreg $0xC0  }
0xa8: {  	_ =	task [dreg:s5], $0x5FFFF  }
0xa9: {  	[dreg:$0x1] =	wrdreg $0xFFFFFFFF  }
0xaa: {  	[dreg:$0x0] =	wrdreg $0x60  }
0xab: {  	[dreg:$0x2] =	wrdreg s0  }
0xac: {  	[dreg:$0x3] =	wrdreg s22  }
0xad: {  	[dreg:$0x4] =	wrdreg $0x9  }
0xae: {  	_ =	task.clear_ibuf [dreg:s5], $0x5FFFF;
	_ =	strace $0x90000049  }
0xaf: {  	s26 =	simm.s32 $0x9;
	_ =	strace $0x8000004B  }
0xb0: {  	_ =	swait.ge [sflag:s26], $0x1  }
0xb1: {  	[sflag:s26] =	ssyncadd.s32 $0xFFFFFFFF  }
0xb2: {  	_ =	strace $0x9000004B  }
0xb3: {  	_ =	sfence  }
0xb4: {  	s28 =	sld [smem:$0x0];
	_ =	sdelay $0x1  }
0xb5: {  	s29 =	srdreg.scid  }
0xb6: {  	s30 =	sshll.u32 s29, $0xD;
	s31 =	sshrl.u32 s29, $0x2  }
0xb7: {  	s2 =	sand.u32 $0x4000, s30;
	s1 =	sand.u32 $0x1, s29;
	s0 =	sadd.s32 s31, s28  }
0xb8: {  	s1 =	sor.u32 s2, s1;
	s0 =	sshll.u32 s0, $0x11  }
0xb9: {  	s0 =	sor.u32 s0, s1  }
0xba: {  	s0 =	sadd.s32 $0x8F2B, s0  }
0xbb: {  	[sflag:s0] =	ssyncadd.remote.s32 $0x1  }
0xbc: {  	_ =	sfence.sel $0xFFFF  }
0xbd: {  	[dreg:$0x0] =	wrdreg $0xFFFFFFFF;
	(pc) =	sbr.abs _section_cstart, $3  }
0xbe: {  	[dreg:$0x1] =	wrdreg $0xFFFFFFFF  }
0xbf: {  	_ =	task.clear_ibuf [dreg:s5], $0x2FFFF;
	_ =	strace $0x9FFFFFFF  }
0xc0: {  	(tm) =	ssettm $0x7FFFFFFF  }
0xc1: {  	_ =	shalt  }
tec
execute0_lowered:
.L_overlay_start_1:
0x0: {  	(tag) =	ssettag $0x1  }
0x1: {  	s1 =	rddreg [dreg:$0x0]  }
0x2: {  	s7 =	rddreg [dreg:$0x1]  }
0x3: {  	s0 =	rddreg [dreg:$0x2]  }
0x4: {  	s3 =	stileid.u32;
	_ =	strace $0x8000004A;
	s4 =	simm.s32 $0x3E  }
0x5: {  	p0 =	sne.s32 s3, $0x0;
	[sflag:s4] =	ssyncpa.u1 $0x0;
	s29 =	smul.u32 $0x6, s3  }
0x6: {  	s30 =	smin.u32 s3, $0x4;
	s2 =	simm.s32 @!p0 $0x1C3E;
	s5 =	simm.s32 @!p0 $0x0  }
0x7: {  	[spmem:s5], [sflag:s2] =	dma.local @!p0 [hbm:s1], $0x40  }
0x8: {  	s2 =	sadd.s32 s30, s29  }
0x9: {  	p1 =	slt.u32 s3, $0x4;
	s3 =	simm.s32 $0xDAC0;
	s2 =	smul.u32 $0x1F40, s2  }
0xa: {  	s3 =	simm.s32 @!p1 $0xBB80  }
0xb: {  	s3 =	sadd.s32 s3, s2  }
0xc: {  	s3 =	smin.u32 s3, $0xC3500  }
0xd: {  	s8 =	ssub.s32 s3, s2  }
0xe: {  	p1 =	sgt.s32 s8, $0x0  }
0xf: {  	s8 =	simm.s32 @!p1 $0x0  }
0x10: {  	s5 =	simm.s32 @!p0 $0x3E;
	s31 =	smulhi.u32 $0x10624DD3, s8  }
0x11: {  	_ =	swait.ge @!p0 [sflag:s5], $0x40  }
0x12: {  	s6 =	simm.s32 $0x2;
	[sflag:s5] =	ssyncset.done @!p0 $0x0;
	s9 =	sshrl.u32 s31, $0x9  }
0x13: {  	s11 =	simm.s32 $0x0;
	[sflag:s5] =	ssyncadd.s32 @!p0 $0xFFFFFFC0;
	s10 =	smul.u32 $0x1F40, s9  }
.Ltmp0:
0x14: {  	s5 =	sadd.s32 $0x1C400, s7;
	[bflag:$0x0] =	sbarrier.arrive $0xFFFF;
	(pc) =	sbr.rel .LBB2_1-.Ltmp0, $4  }
0x15: {  	s7 =	sadd.s32 $0x207000, s7;
	[sflag:s4] =	ssyncpa.u1 $0x1;
	s4 =	simm.s32 $0x1  }
0x16: {  	[sflag:s4] =	ssyncpa.u1 $0x0;
	p1 =	sne.s32 s8, s10;
	s8 =	simm.s32 $0x1  }
0x17: {  	(ifvalue) =	ssetifvalue $0x200;
	[sflag:s6] =	ssyncpa.u1 $0x0;
	s8 =	simm.s32 @!p1 $0x0  }
0x18: {  	vm0 =	vmmov $0xffff;
	s10 =	smov.u32 s2;
	s8 =	sadd.s32 s8, s9;
	s9 =	simm.s32 $0x0  }
.LBB2_5:
0x19: {  	p2 =	sne.s32 s11, s8  }
.Ltmp1:
0x1a: {  	_ = 	snop;
	(pc) =	sbr.rel @!p2 .LBB2_6-.Ltmp1, $4  }
0x1b: {  	_ = 	snop  }
0x1c: {  	s12 =	sadd.s32 $0x1F40, s10  }
0x1d: {  	s10 =	smov.u32 s2;
	s13 =	sadd.s32 $0x1, s11;
	p1 =	slt.s32 s12, s3  }
0x1e: {  	s11 =	smov.u32 s13;
	s10 =	smov.u32 @p1 s12  }
.LBB2_1:
0x1f: {  	p1 =	sge.u32 s11, s8  }
0x20: {  	s12 =	sxor.u32 @!p1 $0xFFFFFFFF, s11  }
0x21: {  	s12 =	sand.u32 @!p1 $0x1, s12  }
0x22: {  	s12 =	smul.u32 @!p1 $0x1F40, s12  }
0x23: {  	s13 =	sshrl.u32 @!p1 s10, $0x3  }
0x24: {  	s16 =	sand.u32 @!p1 $0x7, s10;
	s14 =	sadd.s32 @!p1 s5, s13;
	s15 =	sor.u32 @!p1 $0x20, s12  }
0x25: {  	[tilespmem:s15], [sflag:$0x2] =	stream.linear.gather @!p1 [hbm4b:s14+s16], $0x1F40, $0x38;
	[tilespmem:$0x7D20] =	vst v63  }
0x26: {  	s13 =	sadd.s32 @!p1 s7, s13;
	s12 =	sadd.s32 @!p1 $0x3EA0, s12  }
0x27: {  	[tilespmem:s12], [sflag:$0x2] =	stream.linear.gather @!p1 [hbm4b:s13+s16], $0x1F40, $0x38;
	[tilespmem:$0x7D20] =	vst v63  }
0x28: {  	p1 =	seq.s32 s11, $0x0  }
.Ltmp2:
0x29: {  	_ = 	snop;
	(pc) =	sbr.rel @p1 .LBB2_5-.Ltmp2, $1  }
0x2a: {  	_ =	sdelay $0x3  }
0x2b: {  	s12 =	sand.u32 $0x1, s11  }
0x2c: {  	_ =	swait.ge [sflag:s6], $0x3E80;
	p1 =	seq.s32 s12, $0x1;
	s12 =	simm.s32 $0x1F40  }
0x2d: {  	[sflag:s6] =	ssyncset.done $0x0;
	s12 =	simm.s32 @!p1 $0x0  }
0x2e: {  	[sflag:s6] =	ssyncadd.s32 $0xFFFFC180;
	s14 =	sor.u32 $0x20, s12  }
0x2f: {  	v0 =	vld.msk [tilespmem:s14+$0x0 ss:$0x1], $0xffff;
	_ =	sdelay $0x4  }
0x30: {  	v0 =	vmin.u32 v0, $0x200;
	_ =	sdelay $0x3  }
0x31: {  	s13 =	simm.s32 $0x0;
	s12 =	sadd.s32 $0x3EA0, s12;
	s14 =	sadd.s32 $0x10, s14  }
0x32: {  	[spmem:s9] =	stream.indirect_vreg.scatter.add.s32 [tilespmem:s12], [sflag:$0x1], $0x1, v0, vm0, $0x4038;
	[tilespmem:$0x7D20] =	vst v63  }
.LBB2_3:
0x33: {  	v0 =	vld.msk [tilespmem:s14+$0x0 ss:$0x1], $0xffff;
	s13 =	sadd.s32 $0x10, s13  }
0x34: {  	p1 =	slt.u32 s13, $0x1F30;
	_ =	sdelay $0x4  }
0x35: {  	v0 =	vmin.u32 v0, $0x200  }
.Ltmp3:
0x36: {  	(pc) =	sbr.rel @p1 .LBB2_3-.Ltmp3, $3  }
0x37: {  	_ =	sdelay $0x1  }
0x38: {  	s14 =	sadd.s32 $0x10, s14;
	s12 =	sadd.s32 $0x10, s12  }
0x39: {  	[spmem:s9] =	stream.indirect_vreg.scatter.add.s32 [tilespmem:s12], [sflag:$0x1], $0x1, v0, vm0, $0x4038;
	[tilespmem:$0x7D20] =	vst v63  }
.Ltmp4:
0x3a: {  	(pc) =	sbr.rel .LBB2_5-.Ltmp4, $4  }
0x3b: {  	_ = 	snop  }
0x3c: {  	_ =	swait.ge [sflag:s4], $0x1F40  }
0x3d: {  	[sflag:s4] =	ssyncset.done $0x0  }
0x3e: {  	[sflag:s4] =	ssyncadd.s32 $0xFFFFE0C0  }
.LBB2_6:
0x3f: {  	_ =	sfence.sel $0x180000  }
0x40: {  	s2 =	simm.s32 $0x2;
	[bflag:$0x0] =	sbarrier.arrive $0xFFFF  }
0x41: {  	s30 =	simm.s32 $0x1;
	[sflag:s2] =	ssyncpa.u1 $0x1  }
0x42: {  	[sflag:s30] =	ssyncpa.u1 $0x1  }
0x43: {  	_ =	sfence.stream.spmem  }
0x44: {  	s31 =	simm.s32 $0x3D;
	[bflag:$0x0] =	sbarrier.arrive $0xFFFF  }
0x45: {  	s2 =	simm.s32 @p0 $0x3D;
	[sflag:s31] =	ssyncpa.u1 $0x0  }
0x46: {  	[sflag:s2] =	ssyncpa.u1 @p0 $0x1  }
0x47: {  	[bflag:$0x0] =	sbarrier.arrive @p0 $0xFFFF  }
0x48: {  	_ =	strace @p0 $0x9000004A  }
0x49: {  	s3 =	simm.s32 @!p0 $0x1C3D;
	s2 =	simm.s32 @!p0 $0x0;
	[bflag:$0x2] =	sbarrier.arrive @p0 $0xFFFF  }
0x4a: {  	[hbm:s1], [sflag:s3] =	dma.local @!p0 [spmem:s2], $0x40  }
0x4b: {  	s1 =	simm.s32 @!p0 $0x3D  }
0x4c: {  	_ =	swait.ge @!p0 [sflag:s1], $0x40  }
0x4d: {  	[sflag:s1] =	ssyncset.done @!p0 $0x0  }
0x4e: {  	[sflag:s1] =	ssyncadd.s32 @!p0 $0xFFFFFFC0  }
0x4f: {  	[sflag:s1] =	ssyncpa.u1 @!p0 $0x1  }
0x50: {  	[bflag:$0x0] =	sbarrier.arrive @!p0 $0xFFFF  }
0x51: {  	_ =	strace @!p0 $0x9000004A  }
0x52: {  	s0 =	sadd.s32 @!p0 $0x100000, s0;
	[bflag:$0x2] =	sbarrier.arrive @!p0 $0xFFFF  }
0x53: {  	[sflag:s0] =	ssyncadd.tile.s32 @!p0 $0x1;
	_ =	shalt  }
.Lfunc_end2:
_tile_overlayer_lowered:
.L_overlay_start_2:
0x54: {  	(tag) =	ssettag $0x2  }
0x55: {  	s0 =	rddreg [dreg:$0x0];
	s2 =	stileid.u32  }
0x56: {  	s1 =	rddreg [dreg:$0x1];
	p0 =	sne.s32 s2, $0x0  }
0x57: {  	s3 =	rddreg [dreg:$0x2];
	[bflag:$0x3] =	sbarrier.arrive $0xFFFF;
	s2 =	simm.s32 @!p0 $0x1C01  }
0x58: {  	[timem:s3], [sflag:s2] =	dma.local @!p0 [hbm:s0], s1  }
0x59: {  	s0 =	simm.s32 @!p0 $0x1  }
0x5a: {  	_ =	swait.ge @!p0 [sflag:s0], s1  }
0x5b: {  	s1 =	ssub.s32 @!p0 $0x0, s1;
	[sflag:s0] =	ssyncset.done @!p0 $0x0  }
0x5c: {  	[sflag:s0] =	ssyncadd.s32 @!p0 s1  }
0x5d: {  	[bflag:$0x3] =	sbarrier.arrive $0xFFFF  }
0x5e: {  	_ =	shalt  }

</sc_bundles>
